<compile_context>
chip_gen: v7x
topology: tpu7x:2x2x1
jax: 0.10.2.dev20260603
libtpu: 0.0.44.dev20260713+nightly
codegen_flags: <defaults>
</compile_context>

<pallas_src>
import functools

import jax
import jax.numpy as jnp
from jax import lax
from jax.experimental import pallas as pl
from jax.experimental.pallas import tpu as pltpu
from jax.experimental.pallas import tpu_sc as plsc

B = 16384
D = 64
N = 100000
CHUNK = 4096
NCHUNK = B // CHUNK


def _gather_cols_sc(user_ids, item_ids, tt, bt):
    info = plsc.get_sparse_core_info()
    nc, ns = info.num_cores, info.num_subcores
    nw = nc * ns
    rows_per_w = D // nw

    mesh = plsc.VectorSubcoreMesh(core_axis_name="c", subcore_axis_name="s")

    @functools.partial(
        pl.kernel,
        mesh=mesh,
        out_type=(
            jax.ShapeDtypeStruct((D, B), jnp.float32),
            jax.ShapeDtypeStruct((D, B), jnp.float32),
        ),
        scratch_types=[
            pltpu.VMEM((N,), jnp.float32),
            pltpu.VMEM((CHUNK,), jnp.int32),
            pltpu.VMEM((CHUNK,), jnp.int32),
            pltpu.VMEM((CHUNK,), jnp.float32),
            pltpu.VMEM((CHUNK,), jnp.float32),
            pltpu.SemaphoreType.DMA,
            pltpu.SemaphoreType.DMA,
            pltpu.SemaphoreType.DMA,
            pltpu.SemaphoreType.DMA,
        ],
        compiler_params=pltpu.CompilerParams(needs_layout_passes=False),
    )
    def gather_kernel(uid_hbm, iid_hbm, tt_hbm, bt_hbm, out_t, out_b,
                      rowb, idxb0, idxb1, outb0, outb1,
                      sem_i0, sem_i1, sem_w0, sem_w1):
        wid = lax.axis_index("s") * nc + lax.axis_index("c")
        idxb = (idxb0, idxb1)
        outb = (outb0, outb1)
        sem_i = (sem_i0, sem_i1)
        sem_w = (sem_w0, sem_w1)
        pend_w = [None, None]

        for tab_hbm, idx_hbm, out_hbm in ((tt_hbm, uid_hbm, out_t),
                                          (bt_hbm, iid_hbm, out_b)):
            for kk in range(rows_per_w):
                k = wid * rows_per_w + kk
                pltpu.sync_copy(tab_hbm.at[k], rowb)
                pend_i = [None, None]
                pend_i[0] = pltpu.async_copy(
                    idx_hbm.at[pl.ds(0, CHUNK)], idxb[0], sem_i[0])
                for c in range(NCHUNK):
                    par = c % 2
                    pend_i[par].wait()
                    if c + 1 < NCHUNK:
                        pend_i[1 - par] = pltpu.async_copy(
                            idx_hbm.at[pl.ds((c + 1) * CHUNK, CHUNK)],
                            idxb[1 - par], sem_i[1 - par])
                    if pend_w[par] is not None:
                        pend_w[par].wait()
                        pend_w[par] = None

                    src_i = idxb[par]
                    dst_o = outb[par]

                    @plsc.parallel_loop(0, CHUNK // 16, unroll=8)
                    def g_body(g, src_i=src_i, dst_o=dst_o):
                        j = g * 16
                        iv = src_i[pl.ds(j, 16)]
                        dst_o[pl.ds(j, 16)] = plsc.load_gather(rowb, [iv])
                    pend_w[par] = pltpu.async_copy(
                        dst_o, out_hbm.at[k, pl.ds(c * CHUNK, CHUNK)],
                        sem_w[par])
        for par in range(2):
            if pend_w[par] is not None:
                pend_w[par].wait()

    return gather_kernel(user_ids, item_ids, tt, bt)


def _softplus(x):
    return jnp.maximum(x, 0.0) + jnp.log(1.0 + jnp.exp(-jnp.abs(x)))


def _dot_body(t_ref, b_ref, o_ref):
    sp_t = _softplus(t_ref[...])
    sp_b = _softplus(b_ref[...])
    o_ref[...] = jnp.sum(sp_t * sp_b, axis=0)


def _tc_reduce(trows, brows):
    blk = 2048
    return pl.pallas_call(
        _dot_body,
        grid=(B // blk,),
        in_specs=[
            pl.BlockSpec((D, blk), lambda i: (0, i)),
            pl.BlockSpec((D, blk), lambda i: (0, i)),
        ],
        out_specs=pl.BlockSpec((blk,), lambda i: (i,)),
        out_shape=jax.ShapeDtypeStruct((B,), jnp.float32),
    )(trows, brows)


def kernel(user_ids, item_ids, theta_uncons, beta_uncons):
    uid = user_ids.astype(jnp.int32)
    iid = item_ids.astype(jnp.int32)
    trows, brows = _gather_cols_sc(uid, iid, theta_uncons.T, beta_uncons.T)
    return _tc_reduce(trows, brows)

# --- scband reference (transcript-rebuilt; emitter-appended) ---
"""Pipeline reference for scband-hpf-py-torch-566935683596 (READ-ONLY COPY).

The authoritative reference and input builder live on the scoring server;
editing this copy changes nothing except your own understanding.
"""

import jax, jax.numpy as jnp
import numpy as np

N_USERS = 100000
N_ITEMS = 100000
K = 64
BATCH = 16384


def setup_inputs(seed: int = 0) -> dict:
    key = jax.random.key(seed)
    k1, k2, k3, k4 = jax.random.split(key, 4)
    user_ids = jax.random.randint(k1, (BATCH,), 0, N_USERS, dtype=jnp.int64) if jax.config.jax_enable_x64 else jax.random.randint(k1, (BATCH,), 0, N_USERS, dtype=jnp.int32)
    item_ids = jax.random.randint(k2, (BATCH,), 0, N_ITEMS, dtype=jnp.int32)
    theta_uncons = jax.random.normal(k3, (N_USERS, K), dtype=jnp.float32) * 0.1
    beta_uncons = jax.random.normal(k4, (N_ITEMS, K), dtype=jnp.float32) * 0.1
    return {
        "user_ids": user_ids,
        "item_ids": item_ids,
        "theta_uncons": theta_uncons,
        "beta_uncons": beta_uncons,
    }


def reference(user_ids, item_ids, theta_uncons, beta_uncons):
    # theta/beta are softplus-constrained full tables (as in the torch properties)
    theta = jax.nn.softplus(theta_uncons)
    beta = jax.nn.softplus(beta_uncons)
    theta_u = jnp.take(theta, user_ids, axis=0)
    beta_i = jnp.take(beta, item_ids, axis=0)
    return jnp.sum(theta_u * beta_i, axis=1)

if __name__ == "__main__":
    import jax
    _d = setup_inputs()
    print(jax.jit(kernel)(*tuple(_d.values())))

</pallas_src>

<mosaic_0001>
#map = affine_map<(d0, d1) -> (0)>
#map1 = affine_map<(d0, d1) -> (0, 0)>
module attributes {stable_mosaic.version = 14 : i64} {
  func.func @gather_kernel(%arg0: i32, %arg1: i32, %arg2: memref<16384xi32, #tpu.memory_space<hbm>>, %arg3: memref<16384xi32, #tpu.memory_space<hbm>>, %arg4: memref<64x100000xf32, #tpu.memory_space<hbm>>, %arg5: memref<64x100000xf32, #tpu.memory_space<hbm>>, %arg6: memref<64x16384xf32, #tpu.memory_space<hbm>>, %arg7: memref<64x16384xf32, #tpu.memory_space<hbm>>, %arg8: memref<100000xf32, #tpu.memory_space<vmem>>, %arg9: memref<4096xi32, #tpu.memory_space<vmem>>, %arg10: memref<4096xi32, #tpu.memory_space<vmem>>, %arg11: memref<4096xf32, #tpu.memory_space<vmem>>, %arg12: memref<4096xf32, #tpu.memory_space<vmem>>, %arg13: memref<!tpu.dma_semaphore, #tpu.memory_space<semaphore_mem>>, %arg14: memref<!tpu.dma_semaphore, #tpu.memory_space<semaphore_mem>>, %arg15: memref<!tpu.dma_semaphore, #tpu.memory_space<semaphore_mem>>, %arg16: memref<!tpu.dma_semaphore, #tpu.memory_space<semaphore_mem>>) attributes {dimension_semantics = [#tpu.dimension_semantics<core_parallel>, #tpu.dimension_semantics<subcore_parallel>], iteration_bounds = array<i64: 2, 16>, scalar_prefetch = 0 : i64, scratch_operands = 9 : i64, tpu.core_type = #tpu.core_type<sc_vector_subcore>, window_params = [{transform_indices = #map}, {transform_indices = #map}, {transform_indices = #map1}, {transform_indices = #map1}, {transform_indices = #map1}, {transform_indices = #map1}]} {
    %mul3A = arith.constant 2 : i32
    %mul3A_0 = arith.muli %arg1, %mul3A : i32
    %add3A = arith.addi %mul3A_0, %arg0 : i32
    %mul3A_1 = arith.constant 2 : i32
    %mul3A_2 = arith.muli %add3A, %mul3A_1 : i32
    %add3A_3 = arith.constant 0 : i32
    %add3A_4 = arith.addi %mul3A_2, %add3A_3 : i32
    "tpu.region"() ({
      %run_scoped3A = tpu.sem_alloc : memref<!tpu.dma_semaphore, #tpu.memory_space<semaphore_mem>>
      %dma_start3A_382 = arith.constant 0 : i32
      %dma_start3A_383 = tpu.memref_slice %arg4[%add3A_4, %dma_start3A_382] : memref<64x100000xf32, #tpu.memory_space<hbm>> -> memref<1x100000xf32, #tpu.memory_space<hbm>>
      %dma_start3A_384 = tpu.memref_squeeze %dma_start3A_383 : memref<1x100000xf32, #tpu.memory_space<hbm>> -> memref<100000xf32, #tpu.memory_space<hbm>>
      %dma_start3A_385 = arith.constant 0 : i32
      %dma_start3A_386 = tpu.memref_slice %arg4[%add3A_4, %dma_start3A_385] : memref<64x100000xf32, #tpu.memory_space<hbm>> -> memref<1x100000xf32, #tpu.memory_space<hbm>>
      %dma_start3A_387 = tpu.memref_squeeze %dma_start3A_386 : memref<1x100000xf32, #tpu.memory_space<hbm>> -> memref<100000xf32, #tpu.memory_space<hbm>>
      tpu.enqueue_dma source(%dma_start3A_387 : memref<100000xf32, #tpu.memory_space<hbm>>) target(%arg8 : memref<100000xf32, #tpu.memory_space<vmem>>) target_semaphore(%run_scoped3A : memref<!tpu.dma_semaphore, #tpu.memory_space<semaphore_mem>>)
      %dma_wait3A_388 = arith.constant 0 : i32
      %dma_wait3A_389 = tpu.memref_slice %arg4[%add3A_4, %dma_wait3A_388] : memref<64x100000xf32, #tpu.memory_space<hbm>> -> memref<1x100000xf32, #tpu.memory_space<hbm>>
      %dma_wait3A_390 = tpu.memref_squeeze %dma_wait3A_389 : memref<1x100000xf32, #tpu.memory_space<hbm>> -> memref<100000xf32, #tpu.memory_space<hbm>>
      %dma_wait3A_391 = arith.constant 0 : i32
      %dma_wait3A_392 = tpu.memref_slice %arg4[%add3A_4, %dma_wait3A_391] : memref<64x100000xf32, #tpu.memory_space<hbm>> -> memref<1x100000xf32, #tpu.memory_space<hbm>>
      %dma_wait3A_393 = tpu.memref_squeeze %dma_wait3A_392 : memref<1x100000xf32, #tpu.memory_space<hbm>> -> memref<100000xf32, #tpu.memory_space<hbm>>
      tpu.wait_dma2 semaphore(%run_scoped3A : memref<!tpu.dma_semaphore, #tpu.memory_space<semaphore_mem>>) src(%dma_wait3A_393 : memref<100000xf32, #tpu.memory_space<hbm>>) dst(%arg8 : memref<100000xf32, #tpu.memory_space<vmem>>)
      tpu.yield
    }) : () -> ()
    %dma_start3A = arith.constant 0 : i32
    %dma_start3A_5 = tpu.memref_slice %arg2[%dma_start3A] : memref<16384xi32, #tpu.memory_space<hbm>> -> memref<4096xi32, #tpu.memory_space<hbm>>
    %dma_start3A_6 = arith.constant 0 : i32
    %dma_start3A_7 = tpu.memref_slice %arg2[%dma_start3A_6] : memref<16384xi32, #tpu.memory_space<hbm>> -> memref<4096xi32, #tpu.memory_space<hbm>>
    tpu.enqueue_dma source(%dma_start3A_7 : memref<4096xi32, #tpu.memory_space<hbm>>) target(%arg9 : memref<4096xi32, #tpu.memory_space<vmem>>) target_semaphore(%arg13 : memref<!tpu.dma_semaphore, #tpu.memory_space<semaphore_mem>>)
    %dma_wait3A = arith.constant 0 : i32
    %dma_wait3A_8 = tpu.memref_slice %arg2[%dma_wait3A] : memref<16384xi32, #tpu.memory_space<hbm>> -> memref<4096xi32, #tpu.memory_space<hbm>>
    %dma_wait3A_9 = arith.constant 0 : i32
    %dma_wait3A_10 = tpu.memref_slice %arg2[%dma_wait3A_9] : memref<16384xi32, #tpu.memory_space<hbm>> -> memref<4096xi32, #tpu.memory_space<hbm>>
    tpu.wait_dma2 semaphore(%arg13 : memref<!tpu.dma_semaphore, #tpu.memory_space<semaphore_mem>>) src(%dma_wait3A_10 : memref<4096xi32, #tpu.memory_space<hbm>>) dst(%arg9 : memref<4096xi32, #tpu.memory_space<vmem>>)
    %dma_start3A_11 = arith.constant 4096 : i32
    %dma_start3A_12 = tpu.memref_slice %arg2[%dma_start3A_11] : memref<16384xi32, #tpu.memory_space<hbm>> -> memref<4096xi32, #tpu.memory_space<hbm>>
    %dma_start3A_13 = arith.constant 4096 : i32
    %dma_start3A_14 = tpu.memref_slice %arg2[%dma_start3A_13] : memref<16384xi32, #tpu.memory_space<hbm>> -> memref<4096xi32, #tpu.memory_space<hbm>>
    tpu.enqueue_dma source(%dma_start3A_14 : memref<4096xi32, #tpu.memory_space<hbm>>) target(%arg10 : memref<4096xi32, #tpu.memory_space<vmem>>) target_semaphore(%arg14 : memref<!tpu.dma_semaphore, #tpu.memory_space<semaphore_mem>>)
    %parallel_loop3A = arith.constant 0 : i32
    %parallel_loop3A_15 = arith.constant 256 : i32
    %parallel_loop3A_16 = arith.constant 1 : i32
    scf.for %parallel_loop3A_382 = %parallel_loop3A to %parallel_loop3A_15 step %parallel_loop3A_16  : i32 {
      %parallel_loop3A_383 = arith.constant 16 : i32
      %parallel_loop3A_384 = arith.muli %parallel_loop3A_382, %parallel_loop3A_383 : i32
      %parallel_loop3A_385 = arith.index_cast %parallel_loop3A_384 : i32 to index
      %parallel_loop3A_386 = tpu.vector_load %arg9[%parallel_loop3A_385] {strides = array<i32>} : memref<4096xi32, #tpu.memory_space<vmem>>, vector<16xi32>,
      %parallel_loop3A_387 = tpu.vector_load_idx %arg8[%parallel_loop3A_386] : memref<100000xf32, #tpu.memory_space<vmem>>[vector<16xi32>], vector<16xf32>,
      %parallel_loop3A_388 = arith.index_cast %parallel_loop3A_384 : i32 to index
      %parallel_loop3A_389 = tpu.vector_load %arg11[%parallel_loop3A_388] {strides = array<i32>} : memref<4096xf32, #tpu.memory_space<vmem>>, vector<16xf32>,
      tpu.vector_store %arg11[%parallel_loop3A_388], %parallel_loop3A_387 {strides = array<i32>} : memref<4096xf32, #tpu.memory_space<vmem>>, vector<16xf32>,
    } {sc.loop_unroll_factor = 8 : i64, sc.parallel_access}
    %dma_start3A_17 = arith.constant 0 : i32
    %dma_start3A_18 = tpu.memref_slice %arg6[%add3A_4, %dma_start3A_17] : memref<64x16384xf32, #tpu.memory_space<hbm>> -> memref<1x4096xf32, #tpu.memory_space<hbm>>
    %dma_start3A_19 = tpu.memref_squeeze %dma_start3A_18 : memref<1x4096xf32, #tpu.memory_space<hbm>> -> memref<4096xf32, #tpu.memory_space<hbm>>
    %dma_start3A_20 = arith.constant 0 : i32
    %dma_start3A_21 = tpu.memref_slice %arg6[%add3A_4, %dma_start3A_20] : memref<64x16384xf32, #tpu.memory_space<hbm>> -> memref<1x4096xf32, #tpu.memory_space<hbm>>
    %dma_start3A_22 = tpu.memref_squeeze %dma_start3A_21 : memref<1x4096xf32, #tpu.memory_space<hbm>> -> memref<4096xf32, #tpu.memory_space<hbm>>
    tpu.enqueue_dma source(%arg11 : memref<4096xf32, #tpu.memory_space<vmem>>) target(%dma_start3A_22 : memref<4096xf32, #tpu.memory_space<hbm>>) target_semaphore(%arg15 : memref<!tpu.dma_semaphore, #tpu.memory_space<semaphore_mem>>)
    %dma_wait3A_23 = arith.constant 4096 : i32
    %dma_wait3A_24 = tpu.memref_slice %arg2[%dma_wait3A_23] : memref<16384xi32, #tpu.memory_space<hbm>> -> memref<4096xi32, #tpu.memory_space<hbm>>
    %dma_wait3A_25 = arith.constant 4096 : i32
    %dma_wait3A_26 = tpu.memref_slice %arg2[%dma_wait3A_25] : memref<16384xi32, #tpu.memory_space<hbm>> -> memref<4096xi32, #tpu.memory_space<hbm>>
    tpu.wait_dma2 semaphore(%arg14 : memref<!tpu.dma_semaphore, #tpu.memory_space<semaphore_mem>>) src(%dma_wait3A_26 : memref<4096xi32, #tpu.memory_space<hbm>>) dst(%arg10 : memref<4096xi32, #tpu.memory_space<vmem>>)
    %dma_start3A_27 = arith.constant 8192 : i32
    %dma_start3A_28 = tpu.memref_slice %arg2[%dma_start3A_27] : memref<16384xi32, #tpu.memory_space<hbm>> -> memref<4096xi32, #tpu.memory_space<hbm>>
    %dma_start3A_29 = arith.constant 8192 : i32
    %dma_start3A_30 = tpu.memref_slice %arg2[%dma_start3A_29] : memref<16384xi32, #tpu.memory_space<hbm>> -> memref<4096xi32, #tpu.memory_space<hbm>>
    tpu.enqueue_dma source(%dma_start3A_30 : memref<4096xi32, #tpu.memory_space<hbm>>) target(%arg9 : memref<4096xi32, #tpu.memory_space<vmem>>) target_semaphore(%arg13 : memref<!tpu.dma_semaphore, #tpu.memory_space<semaphore_mem>>)
    %parallel_loop3A_31 = arith.constant 0 : i32
    %parallel_loop3A_32 = arith.constant 256 : i32
    %parallel_loop3A_33 = arith.constant 1 : i32
    scf.for %parallel_loop3A_382 = %parallel_loop3A_31 to %parallel_loop3A_32 step %parallel_loop3A_33  : i32 {
      %parallel_loop3A_383 = arith.constant 16 : i32
      %parallel_loop3A_384 = arith.muli %parallel_loop3A_382, %parallel_loop3A_383 : i32
      %parallel_loop3A_385 = arith.index_cast %parallel_loop3A_384 : i32 to index
      %parallel_loop3A_386 = tpu.vector_load %arg10[%parallel_loop3A_385] {strides = array<i32>} : memref<4096xi32, #tpu.memory_space<vmem>>, vector<16xi32>,
      %parallel_loop3A_387 = tpu.vector_load_idx %arg8[%parallel_loop3A_386] : memref<100000xf32, #tpu.memory_space<vmem>>[vector<16xi32>], vector<16xf32>,
      %parallel_loop3A_388 = arith.index_cast %parallel_loop3A_384 : i32 to index
      %parallel_loop3A_389 = tpu.vector_load %arg12[%parallel_loop3A_388] {strides = array<i32>} : memref<4096xf32, #tpu.memory_space<vmem>>, vector<16xf32>,
      tpu.vector_store %arg12[%parallel_loop3A_388], %parallel_loop3A_387 {strides = array<i32>} : memref<4096xf32, #tpu.memory_space<vmem>>, vector<16xf32>,
    } {sc.loop_unroll_factor = 8 : i64, sc.parallel_access}
    %dma_start3A_34 = arith.constant 4096 : i32
    %dma_start3A_35 = tpu.memref_slice %arg6[%add3A_4, %dma_start3A_34] : memref<64x16384xf32, #tpu.memory_space<hbm>> -> memref<1x4096xf32, #tpu.memory_space<hbm>>
    %dma_start3A_36 = tpu.memref_squeeze %dma_start3A_35 : memref<1x4096xf32, #tpu.memory_space<hbm>> -> memref<4096xf32, #tpu.memory_space<hbm>>
    %dma_start3A_37 = arith.constant 4096 : i32
    %dma_start3A_38 = tpu.memref_slice %arg6[%add3A_4, %dma_start3A_37] : memref<64x16384xf32, #tpu.memory_space<hbm>> -> memref<1x4096xf32, #tpu.memory_space<hbm>>
    %dma_start3A_39 = tpu.memref_squeeze %dma_start3A_38 : memref<1x4096xf32, #tpu.memory_space<hbm>> -> memref<4096xf32, #tpu.memory_space<hbm>>
    tpu.enqueue_dma source(%arg12 : memref<4096xf32, #tpu.memory_space<vmem>>) target(%dma_start3A_39 : memref<4096xf32, #tpu.memory_space<hbm>>) target_semaphore(%arg16 : memref<!tpu.dma_semaphore, #tpu.memory_space<semaphore_mem>>)
    %dma_wait3A_40 = arith.constant 8192 : i32
    %dma_wait3A_41 = tpu.memref_slice %arg2[%dma_wait3A_40] : memref<16384xi32, #tpu.memory_space<hbm>> -> memref<4096xi32, #tpu.memory_space<hbm>>
    %dma_wait3A_42 = arith.constant 8192 : i32
    %dma_wait3A_43 = tpu.memref_slice %arg2[%dma_wait3A_42] : memref<16384xi32, #tpu.memory_space<hbm>> -> memref<4096xi32, #tpu.memory_space<hbm>>
    tpu.wait_dma2 semaphore(%arg13 : memref<!tpu.dma_semaphore, #tpu.memory_space<semaphore_mem>>) src(%dma_wait3A_43 : memref<4096xi32, #tpu.memory_space<hbm>>) dst(%arg9 : memref<4096xi32, #tpu.memory_space<vmem>>)
    %dma_start3A_44 = arith.constant 12288 : i32
    %dma_start3A_45 = tpu.memref_slice %arg2[%dma_start3A_44] : memref<16384xi32, #tpu.memory_space<hbm>> -> memref<4096xi32, #tpu.memory_space<hbm>>
    %dma_start3A_46 = arith.constant 12288 : i32
    %dma_start3A_47 = tpu.memref_slice %arg2[%dma_start3A_46] : memref<16384xi32, #tpu.memory_space<hbm>> -> memref<4096xi32, #tpu.memory_space<hbm>>
    tpu.enqueue_dma source(%dma_start3A_47 : memref<4096xi32, #tpu.memory_space<hbm>>) target(%arg10 : memref<4096xi32, #tpu.memory_space<vmem>>) target_semaphore(%arg14 : memref<!tpu.dma_semaphore, #tpu.memory_space<semaphore_mem>>)
    %dma_wait3A_48 = arith.constant 0 : i32
    %dma_wait3A_49 = tpu.memref_slice %arg6[%add3A_4, %dma_wait3A_48] : memref<64x16384xf32, #tpu.memory_space<hbm>> -> memref<1x4096xf32, #tpu.memory_space<hbm>>
    %dma_wait3A_50 = tpu.memref_squeeze %dma_wait3A_49 : memref<1x4096xf32, #tpu.memory_space<hbm>> -> memref<4096xf32, #tpu.memory_space<hbm>>
    %dma_wait3A_51 = arith.constant 0 : i32
    %dma_wait3A_52 = tpu.memref_slice %arg6[%add3A_4, %dma_wait3A_51] : memref<64x16384xf32, #tpu.memory_space<hbm>> -> memref<1x4096xf32, #tpu.memory_space<hbm>>
    %dma_wait3A_53 = tpu.memref_squeeze %dma_wait3A_52 : memref<1x4096xf32, #tpu.memory_space<hbm>> -> memref<4096xf32, #tpu.memory_space<hbm>>
    tpu.wait_dma2 semaphore(%arg15 : memref<!tpu.dma_semaphore, #tpu.memory_space<semaphore_mem>>) src(%arg11 : memref<4096xf32, #tpu.memory_space<vmem>>) dst(%dma_wait3A_53 : memref<4096xf32, #tpu.memory_space<hbm>>)
    %parallel_loop3A_54 = arith.constant 0 : i32
    %parallel_loop3A_55 = arith.constant 256 : i32
    %parallel_loop3A_56 = arith.constant 1 : i32
    scf.for %parallel_loop3A_382 = %parallel_loop3A_54 to %parallel_loop3A_55 step %parallel_loop3A_56  : i32 {
      %parallel_loop3A_383 = arith.constant 16 : i32
      %parallel_loop3A_384 = arith.muli %parallel_loop3A_382, %parallel_loop3A_383 : i32
      %parallel_loop3A_385 = arith.index_cast %parallel_loop3A_384 : i32 to index
      %parallel_loop3A_386 = tpu.vector_load %arg9[%parallel_loop3A_385] {strides = array<i32>} : memref<4096xi32, #tpu.memory_space<vmem>>, vector<16xi32>,
      %parallel_loop3A_387 = tpu.vector_load_idx %arg8[%parallel_loop3A_386] : memref<100000xf32, #tpu.memory_space<vmem>>[vector<16xi32>], vector<16xf32>,
      %parallel_loop3A_388 = arith.index_cast %parallel_loop3A_384 : i32 to index
      %parallel_loop3A_389 = tpu.vector_load %arg11[%parallel_loop3A_388] {strides = array<i32>} : memref<4096xf32, #tpu.memory_space<vmem>>, vector<16xf32>,
      tpu.vector_store %arg11[%parallel_loop3A_388], %parallel_loop3A_387 {strides = array<i32>} : memref<4096xf32, #tpu.memory_space<vmem>>, vector<16xf32>,
    } {sc.loop_unroll_factor = 8 : i64, sc.parallel_access}
    %dma_start3A_57 = arith.constant 8192 : i32
    %dma_start3A_58 = tpu.memref_slice %arg6[%add3A_4, %dma_start3A_57] : memref<64x16384xf32, #tpu.memory_space<hbm>> -> memref<1x4096xf32, #tpu.memory_space<hbm>>
    %dma_start3A_59 = tpu.memref_squeeze %dma_start3A_58 : memref<1x4096xf32, #tpu.memory_space<hbm>> -> memref<4096xf32, #tpu.memory_space<hbm>>
    %dma_start3A_60 = arith.constant 8192 : i32
    %dma_start3A_61 = tpu.memref_slice %arg6[%add3A_4, %dma_start3A_60] : memref<64x16384xf32, #tpu.memory_space<hbm>> -> memref<1x4096xf32, #tpu.memory_space<hbm>>
    %dma_start3A_62 = tpu.memref_squeeze %dma_start3A_61 : memref<1x4096xf32, #tpu.memory_space<hbm>> -> memref<4096xf32, #tpu.memory_space<hbm>>
    tpu.enqueue_dma source(%arg11 : memref<4096xf32, #tpu.memory_space<vmem>>) target(%dma_start3A_62 : memref<4096xf32, #tpu.memory_space<hbm>>) target_semaphore(%arg15 : memref<!tpu.dma_semaphore, #tpu.memory_space<semaphore_mem>>)
    %dma_wait3A_63 = arith.constant 12288 : i32
    %dma_wait3A_64 = tpu.memref_slice %arg2[%dma_wait3A_63] : memref<16384xi32, #tpu.memory_space<hbm>> -> memref<4096xi32, #tpu.memory_space<hbm>>
    %dma_wait3A_65 = arith.constant 12288 : i32
    %dma_wait3A_66 = tpu.memref_slice %arg2[%dma_wait3A_65] : memref<16384xi32, #tpu.memory_space<hbm>> -> memref<4096xi32, #tpu.memory_space<hbm>>
    tpu.wait_dma2 semaphore(%arg14 : memref<!tpu.dma_semaphore, #tpu.memory_space<semaphore_mem>>) src(%dma_wait3A_66 : memref<4096xi32, #tpu.memory_space<hbm>>) dst(%arg10 : memref<4096xi32, #tpu.memory_space<vmem>>)
    %dma_wait3A_67 = arith.constant 4096 : i32
    %dma_wait3A_68 = tpu.memref_slice %arg6[%add3A_4, %dma_wait3A_67] : memref<64x16384xf32, #tpu.memory_space<hbm>> -> memref<1x4096xf32, #tpu.memory_space<hbm>>
    %dma_wait3A_69 = tpu.memref_squeeze %dma_wait3A_68 : memref<1x4096xf32, #tpu.memory_space<hbm>> -> memref<4096xf32, #tpu.memory_space<hbm>>
    %dma_wait3A_70 = arith.constant 4096 : i32
    %dma_wait3A_71 = tpu.memref_slice %arg6[%add3A_4, %dma_wait3A_70] : memref<64x16384xf32, #tpu.memory_space<hbm>> -> memref<1x4096xf32, #tpu.memory_space<hbm>>
    %dma_wait3A_72 = tpu.memref_squeeze %dma_wait3A_71 : memref<1x4096xf32, #tpu.memory_space<hbm>> -> memref<4096xf32, #tpu.memory_space<hbm>>
    tpu.wait_dma2 semaphore(%arg16 : memref<!tpu.dma_semaphore, #tpu.memory_space<semaphore_mem>>) src(%arg12 : memref<4096xf32, #tpu.memory_space<vmem>>) dst(%dma_wait3A_72 : memref<4096xf32, #tpu.memory_space<hbm>>)
    %parallel_loop3A_73 = arith.constant 0 : i32
    %parallel_loop3A_74 = arith.constant 256 : i32
    %parallel_loop3A_75 = arith.constant 1 : i32
    scf.for %parallel_loop3A_382 = %parallel_loop3A_73 to %parallel_loop3A_74 step %parallel_loop3A_75  : i32 {
      %parallel_loop3A_383 = arith.constant 16 : i32
      %parallel_loop3A_384 = arith.muli %parallel_loop3A_382, %parallel_loop3A_383 : i32
      %parallel_loop3A_385 = arith.index_cast %parallel_loop3A_384 : i32 to index
      %parallel_loop3A_386 = tpu.vector_load %arg10[%parallel_loop3A_385] {strides = array<i32>} : memref<4096xi32, #tpu.memory_space<vmem>>, vector<16xi32>,
      %parallel_loop3A_387 = tpu.vector_load_idx %arg8[%parallel_loop3A_386] : memref<100000xf32, #tpu.memory_space<vmem>>[vector<16xi32>], vector<16xf32>,
      %parallel_loop3A_388 = arith.index_cast %parallel_loop3A_384 : i32 to index
      %parallel_loop3A_389 = tpu.vector_load %arg12[%parallel_loop3A_388] {strides = array<i32>} : memref<4096xf32, #tpu.memory_space<vmem>>, vector<16xf32>,
      tpu.vector_store %arg12[%parallel_loop3A_388], %parallel_loop3A_387 {strides = array<i32>} : memref<4096xf32, #tpu.memory_space<vmem>>, vector<16xf32>,
    } {sc.loop_unroll_factor = 8 : i64, sc.parallel_access}
    %dma_start3A_76 = arith.constant 12288 : i32
    %dma_start3A_77 = tpu.memref_slice %arg6[%add3A_4, %dma_start3A_76] : memref<64x16384xf32, #tpu.memory_space<hbm>> -> memref<1x4096xf32, #tpu.memory_space<hbm>>
    %dma_start3A_78 = tpu.memref_squeeze %dma_start3A_77 : memref<1x4096xf32, #tpu.memory_space<hbm>> -> memref<4096xf32, #tpu.memory_space<hbm>>
    %dma_start3A_79 = arith.constant 12288 : i32
    %dma_start3A_80 = tpu.memref_slice %arg6[%add3A_4, %dma_start3A_79] : memref<64x16384xf32, #tpu.memory_space<hbm>> -> memref<1x4096xf32, #tpu.memory_space<hbm>>
    %dma_start3A_81 = tpu.memref_squeeze %dma_start3A_80 : memref<1x4096xf32, #tpu.memory_space<hbm>> -> memref<4096xf32, #tpu.memory_space<hbm>>
    tpu.enqueue_dma source(%arg12 : memref<4096xf32, #tpu.memory_space<vmem>>) target(%dma_start3A_81 : memref<4096xf32, #tpu.memory_space<hbm>>) target_semaphore(%arg16 : memref<!tpu.dma_semaphore, #tpu.memory_space<semaphore_mem>>)
    %mul3A_82 = arith.constant 2 : i32
    %mul3A_83 = arith.muli %add3A, %mul3A_82 : i32
    %add3A_84 = arith.constant 1 : i32
    %add3A_85 = arith.addi %mul3A_83, %add3A_84 : i32
    "tpu.region"() ({
      %run_scoped3A = tpu.sem_alloc : memref<!tpu.dma_semaphore, #tpu.memory_space<semaphore_mem>>
      %dma_start3A_382 = arith.constant 0 : i32
      %dma_start3A_383 = tpu.memref_slice %arg4[%add3A_85, %dma_start3A_382] : memref<64x100000xf32, #tpu.memory_space<hbm>> -> memref<1x100000xf32, #tpu.memory_space<hbm>>
      %dma_start3A_384 = tpu.memref_squeeze %dma_start3A_383 : memref<1x100000xf32, #tpu.memory_space<hbm>> -> memref<100000xf32, #tpu.memory_space<hbm>>
      %dma_start3A_385 = arith.constant 0 : i32
      %dma_start3A_386 = tpu.memref_slice %arg4[%add3A_85, %dma_start3A_385] : memref<64x100000xf32, #tpu.memory_space<hbm>> -> memref<1x100000xf32, #tpu.memory_space<hbm>>
      %dma_start3A_387 = tpu.memref_squeeze %dma_start3A_386 : memref<1x100000xf32, #tpu.memory_space<hbm>> -> memref<100000xf32, #tpu.memory_space<hbm>>
      tpu.enqueue_dma source(%dma_start3A_387 : memref<100000xf32, #tpu.memory_space<hbm>>) target(%arg8 : memref<100000xf32, #tpu.memory_space<vmem>>) target_semaphore(%run_scoped3A : memref<!tpu.dma_semaphore, #tpu.memory_space<semaphore_mem>>)
      %dma_wait3A_388 = arith.constant 0 : i32
      %dma_wait3A_389 = tpu.memref_slice %arg4[%add3A_85, %dma_wait3A_388] : memref<64x100000xf32, #tpu.memory_space<hbm>> -> memref<1x100000xf32, #tpu.memory_space<hbm>>
      %dma_wait3A_390 = tpu.memref_squeeze %dma_wait3A_389 : memref<1x100000xf32, #tpu.memory_space<hbm>> -> memref<100000xf32, #tpu.memory_space<hbm>>
      %dma_wait3A_391 = arith.constant 0 : i32
      %dma_wait3A_392 = tpu.memref_slice %arg4[%add3A_85, %dma_wait3A_391] : memref<64x100000xf32, #tpu.memory_space<hbm>> -> memref<1x100000xf32, #tpu.memory_space<hbm>>
      %dma_wait3A_393 = tpu.memref_squeeze %dma_wait3A_392 : memref<1x100000xf32, #tpu.memory_space<hbm>> -> memref<100000xf32, #tpu.memory_space<hbm>>
      tpu.wait_dma2 semaphore(%run_scoped3A : memref<!tpu.dma_semaphore, #tpu.memory_space<semaphore_mem>>) src(%dma_wait3A_393 : memref<100000xf32, #tpu.memory_space<hbm>>) dst(%arg8 : memref<100000xf32, #tpu.memory_space<vmem>>)
      tpu.yield
    }) : () -> ()
    %dma_start3A_86 = arith.constant 0 : i32
    %dma_start3A_87 = tpu.memref_slice %arg2[%dma_start3A_86] : memref<16384xi32, #tpu.memory_space<hbm>> -> memref<4096xi32, #tpu.memory_space<hbm>>
    %dma_start3A_88 = arith.constant 0 : i32
    %dma_start3A_89 = tpu.memref_slice %arg2[%dma_start3A_88] : memref<16384xi32, #tpu.memory_space<hbm>> -> memref<4096xi32, #tpu.memory_space<hbm>>
    tpu.enqueue_dma source(%dma_start3A_89 : memref<4096xi32, #tpu.memory_space<hbm>>) target(%arg9 : memref<4096xi32, #tpu.memory_space<vmem>>) target_semaphore(%arg13 : memref<!tpu.dma_semaphore, #tpu.memory_space<semaphore_mem>>)
    %dma_wait3A_90 = arith.constant 0 : i32
    %dma_wait3A_91 = tpu.memref_slice %arg2[%dma_wait3A_90] : memref<16384xi32, #tpu.memory_space<hbm>> -> memref<4096xi32, #tpu.memory_space<hbm>>
    %dma_wait3A_92 = arith.constant 0 : i32
    %dma_wait3A_93 = tpu.memref_slice %arg2[%dma_wait3A_92] : memref<16384xi32, #tpu.memory_space<hbm>> -> memref<4096xi32, #tpu.memory_space<hbm>>
    tpu.wait_dma2 semaphore(%arg13 : memref<!tpu.dma_semaphore, #tpu.memory_space<semaphore_mem>>) src(%dma_wait3A_93 : memref<4096xi32, #tpu.memory_space<hbm>>) dst(%arg9 : memref<4096xi32, #tpu.memory_space<vmem>>)
    %dma_start3A_94 = arith.constant 4096 : i32
    %dma_start3A_95 = tpu.memref_slice %arg2[%dma_start3A_94] : memref<16384xi32, #tpu.memory_space<hbm>> -> memref<4096xi32, #tpu.memory_space<hbm>>
    %dma_start3A_96 = arith.constant 4096 : i32
    %dma_start3A_97 = tpu.memref_slice %arg2[%dma_start3A_96] : memref<16384xi32, #tpu.memory_space<hbm>> -> memref<4096xi32, #tpu.memory_space<hbm>>
    tpu.enqueue_dma source(%dma_start3A_97 : memref<4096xi32, #tpu.memory_space<hbm>>) target(%arg10 : memref<4096xi32, #tpu.memory_space<vmem>>) target_semaphore(%arg14 : memref<!tpu.dma_semaphore, #tpu.memory_space<semaphore_mem>>)
    %dma_wait3A_98 = arith.constant 8192 : i32
    %dma_wait3A_99 = tpu.memref_slice %arg6[%add3A_4, %dma_wait3A_98] : memref<64x16384xf32, #tpu.memory_space<hbm>> -> memref<1x4096xf32, #tpu.memory_space<hbm>>
    %dma_wait3A_100 = tpu.memref_squeeze %dma_wait3A_99 : memref<1x4096xf32, #tpu.memory_space<hbm>> -> memref<4096xf32, #tpu.memory_space<hbm>>
    %dma_wait3A_101 = arith.constant 8192 : i32
    %dma_wait3A_102 = tpu.memref_slice %arg6[%add3A_4, %dma_wait3A_101] : memref<64x16384xf32, #tpu.memory_space<hbm>> -> memref<1x4096xf32, #tpu.memory_space<hbm>>
    %dma_wait3A_103 = tpu.memref_squeeze %dma_wait3A_102 : memref<1x4096xf32, #tpu.memory_space<hbm>> -> memref<4096xf32, #tpu.memory_space<hbm>>
    tpu.wait_dma2 semaphore(%arg15 : memref<!tpu.dma_semaphore, #tpu.memory_space<semaphore_mem>>) src(%arg11 : memref<4096xf32, #tpu.memory_space<vmem>>) dst(%dma_wait3A_103 : memref<4096xf32, #tpu.memory_space<hbm>>)
    %parallel_loop3A_104 = arith.constant 0 : i32
    %parallel_loop3A_105 = arith.constant 256 : i32
    %parallel_loop3A_106 = arith.constant 1 : i32
    scf.for %parallel_loop3A_382 = %parallel_loop3A_104 to %parallel_loop3A_105 step %parallel_loop3A_106  : i32 {
      %parallel_loop3A_383 = arith.constant 16 : i32
      %parallel_loop3A_384 = arith.muli %parallel_loop3A_382, %parallel_loop3A_383 : i32
      %parallel_loop3A_385 = arith.index_cast %parallel_loop3A_384 : i32 to index
      %parallel_loop3A_386 = tpu.vector_load %arg9[%parallel_loop3A_385] {strides = array<i32>} : memref<4096xi32, #tpu.memory_space<vmem>>, vector<16xi32>,
      %parallel_loop3A_387 = tpu.vector_load_idx %arg8[%parallel_loop3A_386] : memref<100000xf32, #tpu.memory_space<vmem>>[vector<16xi32>], vector<16xf32>,
      %parallel_loop3A_388 = arith.index_cast %parallel_loop3A_384 : i32 to index
      %parallel_loop3A_389 = tpu.vector_load %arg11[%parallel_loop3A_388] {strides = array<i32>} : memref<4096xf32, #tpu.memory_space<vmem>>, vector<16xf32>,
      tpu.vector_store %arg11[%parallel_loop3A_388], %parallel_loop3A_387 {strides = array<i32>} : memref<4096xf32, #tpu.memory_space<vmem>>, vector<16xf32>,
    } {sc.loop_unroll_factor = 8 : i64, sc.parallel_access}
    %dma_start3A_107 = arith.constant 0 : i32
    %dma_start3A_108 = tpu.memref_slice %arg6[%add3A_85, %dma_start3A_107] : memref<64x16384xf32, #tpu.memory_space<hbm>> -> memref<1x4096xf32, #tpu.memory_space<hbm>>
    %dma_start3A_109 = tpu.memref_squeeze %dma_start3A_108 : memref<1x4096xf32, #tpu.memory_space<hbm>> -> memref<4096xf32, #tpu.memory_space<hbm>>
    %dma_start3A_110 = arith.constant 0 : i32
    %dma_start3A_111 = tpu.memref_slice %arg6[%add3A_85, %dma_start3A_110] : memref<64x16384xf32, #tpu.memory_space<hbm>> -> memref<1x4096xf32, #tpu.memory_space<hbm>>
    %dma_start3A_112 = tpu.memref_squeeze %dma_start3A_111 : memref<1x4096xf32, #tpu.memory_space<hbm>> -> memref<4096xf32, #tpu.memory_space<hbm>>
    tpu.enqueue_dma source(%arg11 : memref<4096xf32, #tpu.memory_space<vmem>>) target(%dma_start3A_112 : memref<4096xf32, #tpu.memory_space<hbm>>) target_semaphore(%arg15 : memref<!tpu.dma_semaphore, #tpu.memory_space<semaphore_mem>>)
    %dma_wait3A_113 = arith.constant 4096 : i32
    %dma_wait3A_114 = tpu.memref_slice %arg2[%dma_wait3A_113] : memref<16384xi32, #tpu.memory_space<hbm>> -> memref<4096xi32, #tpu.memory_space<hbm>>
    %dma_wait3A_115 = arith.constant 4096 : i32
    %dma_wait3A_116 = tpu.memref_slice %arg2[%dma_wait3A_115] : memref<16384xi32, #tpu.memory_space<hbm>> -> memref<4096xi32, #tpu.memory_space<hbm>>
    tpu.wait_dma2 semaphore(%arg14 : memref<!tpu.dma_semaphore, #tpu.memory_space<semaphore_mem>>) src(%dma_wait3A_116 : memref<4096xi32, #tpu.memory_space<hbm>>) dst(%arg10 : memref<4096xi32, #tpu.memory_space<vmem>>)
    %dma_start3A_117 = arith.constant 8192 : i32
    %dma_start3A_118 = tpu.memref_slice %arg2[%dma_start3A_117] : memref<16384xi32, #tpu.memory_space<hbm>> -> memref<4096xi32, #tpu.memory_space<hbm>>
    %dma_start3A_119 = arith.constant 8192 : i32
    %dma_start3A_120 = tpu.memref_slice %arg2[%dma_start3A_119] : memref<16384xi32, #tpu.memory_space<hbm>> -> memref<4096xi32, #tpu.memory_space<hbm>>
    tpu.enqueue_dma source(%dma_start3A_120 : memref<4096xi32, #tpu.memory_space<hbm>>) target(%arg9 : memref<4096xi32, #tpu.memory_space<vmem>>) target_semaphore(%arg13 : memref<!tpu.dma_semaphore, #tpu.memory_space<semaphore_mem>>)
    %dma_wait3A_121 = arith.constant 12288 : i32
    %dma_wait3A_122 = tpu.memref_slice %arg6[%add3A_4, %dma_wait3A_121] : memref<64x16384xf32, #tpu.memory_space<hbm>> -> memref<1x4096xf32, #tpu.memory_space<hbm>>
    %dma_wait3A_123 = tpu.memref_squeeze %dma_wait3A_122 : memref<1x4096xf32, #tpu.memory_space<hbm>> -> memref<4096xf32, #tpu.memory_space<hbm>>
    %dma_wait3A_124 = arith.constant 12288 : i32
    %dma_wait3A_125 = tpu.memref_slice %arg6[%add3A_4, %dma_wait3A_124] : memref<64x16384xf32, #tpu.memory_space<hbm>> -> memref<1x4096xf32, #tpu.memory_space<hbm>>
    %dma_wait3A_126 = tpu.memref_squeeze %dma_wait3A_125 : memref<1x4096xf32, #tpu.memory_space<hbm>> -> memref<4096xf32, #tpu.memory_space<hbm>>
    tpu.wait_dma2 semaphore(%arg16 : memref<!tpu.dma_semaphore, #tpu.memory_space<semaphore_mem>>) src(%arg12 : memref<4096xf32, #tpu.memory_space<vmem>>) dst(%dma_wait3A_126 : memref<4096xf32, #tpu.memory_space<hbm>>)
    %parallel_loop3A_127 = arith.constant 0 : i32
    %parallel_loop3A_128 = arith.constant 256 : i32
    %parallel_loop3A_129 = arith.constant 1 : i32
    scf.for %parallel_loop3A_382 = %parallel_loop3A_127 to %parallel_loop3A_128 step %parallel_loop3A_129  : i32 {
      %parallel_loop3A_383 = arith.constant 16 : i32
      %parallel_loop3A_384 = arith.muli %parallel_loop3A_382, %parallel_loop3A_383 : i32
      %parallel_loop3A_385 = arith.index_cast %parallel_loop3A_384 : i32 to index
      %parallel_loop3A_386 = tpu.vector_load %arg10[%parallel_loop3A_385] {strides = array<i32>} : memref<4096xi32, #tpu.memory_space<vmem>>, vector<16xi32>,
      %parallel_loop3A_387 = tpu.vector_load_idx %arg8[%parallel_loop3A_386] : memref<100000xf32, #tpu.memory_space<vmem>>[vector<16xi32>], vector<16xf32>,
      %parallel_loop3A_388 = arith.index_cast %parallel_loop3A_384 : i32 to index
      %parallel_loop3A_389 = tpu.vector_load %arg12[%parallel_loop3A_388] {strides = array<i32>} : memref<4096xf32, #tpu.memory_space<vmem>>, vector<16xf32>,
      tpu.vector_store %arg12[%parallel_loop3A_388], %parallel_loop3A_387 {strides = array<i32>} : memref<4096xf32, #tpu.memory_space<vmem>>, vector<16xf32>,
    } {sc.loop_unroll_factor = 8 : i64, sc.parallel_access}
    %dma_start3A_130 = arith.constant 4096 : i32
    %dma_start3A_131 = tpu.memref_slice %arg6[%add3A_85, %dma_start3A_130] : memref<64x16384xf32, #tpu.memory_space<hbm>> -> memref<1x4096xf32, #tpu.memory_space<hbm>>
    %dma_start3A_132 = tpu.memref_squeeze %dma_start3A_131 : memref<1x4096xf32, #tpu.memory_space<hbm>> -> memref<4096xf32, #tpu.memory_space<hbm>>
    %dma_start3A_133 = arith.constant 4096 : i32
    %dma_start3A_134 = tpu.memref_slice %arg6[%add3A_85, %dma_start3A_133] : memref<64x16384xf32, #tpu.memory_space<hbm>> -> memref<1x4096xf32, #tpu.memory_space<hbm>>
    %dma_start3A_135 = tpu.memref_squeeze %dma_start3A_134 : memref<1x4096xf32, #tpu.memory_space<hbm>> -> memref<4096xf32, #tpu.memory_space<hbm>>
    tpu.enqueue_dma source(%arg12 : memref<4096xf32, #tpu.memory_space<vmem>>) target(%dma_start3A_135 : memref<4096xf32, #tpu.memory_space<hbm>>) target_semaphore(%arg16 : memref<!tpu.dma_semaphore, #tpu.memory_space<semaphore_mem>>)
    %dma_wait3A_136 = arith.constant 8192 : i32
    %dma_wait3A_137 = tpu.memref_slice %arg2[%dma_wait3A_136] : memref<16384xi32, #tpu.memory_space<hbm>> -> memref<4096xi32, #tpu.memory_space<hbm>>
    %dma_wait3A_138 = arith.constant 8192 : i32
    %dma_wait3A_139 = tpu.memref_slice %arg2[%dma_wait3A_138] : memref<16384xi32, #tpu.memory_space<hbm>> -> memref<4096xi32, #tpu.memory_space<hbm>>
    tpu.wait_dma2 semaphore(%arg13 : memref<!tpu.dma_semaphore, #tpu.memory_space<semaphore_mem>>) src(%dma_wait3A_139 : memref<4096xi32, #tpu.memory_space<hbm>>) dst(%arg9 : memref<4096xi32, #tpu.memory_space<vmem>>)
    %dma_start3A_140 = arith.constant 12288 : i32
    %dma_start3A_141 = tpu.memref_slice %arg2[%dma_start3A_140] : memref<16384xi32, #tpu.memory_space<hbm>> -> memref<4096xi32, #tpu.memory_space<hbm>>
    %dma_start3A_142 = arith.constant 12288 : i32
    %dma_start3A_143 = tpu.memref_slice %arg2[%dma_start3A_142] : memref<16384xi32, #tpu.memory_space<hbm>> -> memref<4096xi32, #tpu.memory_space<hbm>>
    tpu.enqueue_dma source(%dma_start3A_143 : memref<4096xi32, #tpu.memory_space<hbm>>) target(%arg10 : memref<4096xi32, #tpu.memory_space<vmem>>) target_semaphore(%arg14 : memref<!tpu.dma_semaphore, #tpu.memory_space<semaphore_mem>>)
    %dma_wait3A_144 = arith.constant 0 : i32
    %dma_wait3A_145 = tpu.memref_slice %arg6[%add3A_85, %dma_wait3A_144] : memref<64x16384xf32, #tpu.memory_space<hbm>> -> memref<1x4096xf32, #tpu.memory_space<hbm>>
    %dma_wait3A_146 = tpu.memref_squeeze %dma_wait3A_145 : memref<1x4096xf32, #tpu.memory_space<hbm>> -> memref<4096xf32, #tpu.memory_space<hbm>>
    %dma_wait3A_147 = arith.constant 0 : i32
    %dma_wait3A_148 = tpu.memref_slice %arg6[%add3A_85, %dma_wait3A_147] : memref<64x16384xf32, #tpu.memory_space<hbm>> -> memref<1x4096xf32, #tpu.memory_space<hbm>>
    %dma_wait3A_149 = tpu.memref_squeeze %dma_wait3A_148 : memref<1x4096xf32, #tpu.memory_space<hbm>> -> memref<4096xf32, #tpu.memory_space<hbm>>
    tpu.wait_dma2 semaphore(%arg15 : memref<!tpu.dma_semaphore, #tpu.memory_space<semaphore_mem>>) src(%arg11 : memref<4096xf32, #tpu.memory_space<vmem>>) dst(%dma_wait3A_149 : memref<4096xf32, #tpu.memory_space<hbm>>)
    %parallel_loop3A_150 = arith.constant 0 : i32
    %parallel_loop3A_151 = arith.constant 256 : i32
    %parallel_loop3A_152 = arith.constant 1 : i32
    scf.for %parallel_loop3A_382 = %parallel_loop3A_150 to %parallel_loop3A_151 step %parallel_loop3A_152  : i32 {
      %parallel_loop3A_383 = arith.constant 16 : i32
      %parallel_loop3A_384 = arith.muli %parallel_loop3A_382, %parallel_loop3A_383 : i32
      %parallel_loop3A_385 = arith.index_cast %parallel_loop3A_384 : i32 to index
      %parallel_loop3A_386 = tpu.vector_load %arg9[%parallel_loop3A_385] {strides = array<i32>} : memref<4096xi32, #tpu.memory_space<vmem>>, vector<16xi32>,
      %parallel_loop3A_387 = tpu.vector_load_idx %arg8[%parallel_loop3A_386] : memref<100000xf32, #tpu.memory_space<vmem>>[vector<16xi32>], vector<16xf32>,
      %parallel_loop3A_388 = arith.index_cast %parallel_loop3A_384 : i32 to index
      %parallel_loop3A_389 = tpu.vector_load %arg11[%parallel_loop3A_388] {strides = array<i32>} : memref<4096xf32, #tpu.memory_space<vmem>>, vector<16xf32>,
      tpu.vector_store %arg11[%parallel_loop3A_388], %parallel_loop3A_387 {strides = array<i32>} : memref<4096xf32, #tpu.memory_space<vmem>>, vector<16xf32>,
    } {sc.loop_unroll_factor = 8 : i64, sc.parallel_access}
    %dma_start3A_153 = arith.constant 8192 : i32
    %dma_start3A_154 = tpu.memref_slice %arg6[%add3A_85, %dma_start3A_153] : memref<64x16384xf32, #tpu.memory_space<hbm>> -> memref<1x4096xf32, #tpu.memory_space<hbm>>
    %dma_start3A_155 = tpu.memref_squeeze %dma_start3A_154 : memref<1x4096xf32, #tpu.memory_space<hbm>> -> memref<4096xf32, #tpu.memory_space<hbm>>
    %dma_start3A_156 = arith.constant 8192 : i32
    %dma_start3A_157 = tpu.memref_slice %arg6[%add3A_85, %dma_start3A_156] : memref<64x16384xf32, #tpu.memory_space<hbm>> -> memref<1x4096xf32, #tpu.memory_space<hbm>>
    %dma_start3A_158 = tpu.memref_squeeze %dma_start3A_157 : memref<1x4096xf32, #tpu.memory_space<hbm>> -> memref<4096xf32, #tpu.memory_space<hbm>>
    tpu.enqueue_dma source(%arg11 : memref<4096xf32, #tpu.memory_space<vmem>>) target(%dma_start3A_158 : memref<4096xf32, #tpu.memory_space<hbm>>) target_semaphore(%arg15 : memref<!tpu.dma_semaphore, #tpu.memory_space<semaphore_mem>>)
    %dma_wait3A_159 = arith.constant 12288 : i32
    %dma_wait3A_160 = tpu.memref_slice %arg2[%dma_wait3A_159] : memref<16384xi32, #tpu.memory_space<hbm>> -> memref<4096xi32, #tpu.memory_space<hbm>>
    %dma_wait3A_161 = arith.constant 12288 : i32
    %dma_wait3A_162 = tpu.memref_slice %arg2[%dma_wait3A_161] : memref<16384xi32, #tpu.memory_space<hbm>> -> memref<4096xi32, #tpu.memory_space<hbm>>
    tpu.wait_dma2 semaphore(%arg14 : memref<!tpu.dma_semaphore, #tpu.memory_space<semaphore_mem>>) src(%dma_wait3A_162 : memref<4096xi32, #tpu.memory_space<hbm>>) dst(%arg10 : memref<4096xi32, #tpu.memory_space<vmem>>)
    %dma_wait3A_163 = arith.constant 4096 : i32
    %dma_wait3A_164 = tpu.memref_slice %arg6[%add3A_85, %dma_wait3A_163] : memref<64x16384xf32, #tpu.memory_space<hbm>> -> memref<1x4096xf32, #tpu.memory_space<hbm>>
    %dma_wait3A_165 = tpu.memref_squeeze %dma_wait3A_164 : memref<1x4096xf32, #tpu.memory_space<hbm>> -> memref<4096xf32, #tpu.memory_space<hbm>>
    %dma_wait3A_166 = arith.constant 4096 : i32
    %dma_wait3A_167 = tpu.memref_slice %arg6[%add3A_85, %dma_wait3A_166] : memref<64x16384xf32, #tpu.memory_space<hbm>> -> memref<1x4096xf32, #tpu.memory_space<hbm>>
    %dma_wait3A_168 = tpu.memref_squeeze %dma_wait3A_167 : memref<1x4096xf32, #tpu.memory_space<hbm>> -> memref<4096xf32, #tpu.memory_space<hbm>>
    tpu.wait_dma2 semaphore(%arg16 : memref<!tpu.dma_semaphore, #tpu.memory_space<semaphore_mem>>) src(%arg12 : memref<4096xf32, #tpu.memory_space<vmem>>) dst(%dma_wait3A_168 : memref<4096xf32, #tpu.memory_space<hbm>>)
    %parallel_loop3A_169 = arith.constant 0 : i32
    %parallel_loop3A_170 = arith.constant 256 : i32
    %parallel_loop3A_171 = arith.constant 1 : i32
    scf.for %parallel_loop3A_382 = %parallel_loop3A_169 to %parallel_loop3A_170 step %parallel_loop3A_171  : i32 {
      %parallel_loop3A_383 = arith.constant 16 : i32
      %parallel_loop3A_384 = arith.muli %parallel_loop3A_382, %parallel_loop3A_383 : i32
      %parallel_loop3A_385 = arith.index_cast %parallel_loop3A_384 : i32 to index
      %parallel_loop3A_386 = tpu.vector_load %arg10[%parallel_loop3A_385] {strides = array<i32>} : memref<4096xi32, #tpu.memory_space<vmem>>, vector<16xi32>,
      %parallel_loop3A_387 = tpu.vector_load_idx %arg8[%parallel_loop3A_386] : memref<100000xf32, #tpu.memory_space<vmem>>[vector<16xi32>], vector<16xf32>,
      %parallel_loop3A_388 = arith.index_cast %parallel_loop3A_384 : i32 to index
      %parallel_loop3A_389 = tpu.vector_load %arg12[%parallel_loop3A_388] {strides = array<i32>} : memref<4096xf32, #tpu.memory_space<vmem>>, vector<16xf32>,
      tpu.vector_store %arg12[%parallel_loop3A_388], %parallel_loop3A_387 {strides = array<i32>} : memref<4096xf32, #tpu.memory_space<vmem>>, vector<16xf32>,
    } {sc.loop_unroll_factor = 8 : i64, sc.parallel_access}
    %dma_start3A_172 = arith.constant 12288 : i32
    %dma_start3A_173 = tpu.memref_slice %arg6[%add3A_85, %dma_start3A_172] : memref<64x16384xf32, #tpu.memory_space<hbm>> -> memref<1x4096xf32, #tpu.memory_space<hbm>>
    %dma_start3A_174 = tpu.memref_squeeze %dma_start3A_173 : memref<1x4096xf32, #tpu.memory_space<hbm>> -> memref<4096xf32, #tpu.memory_space<hbm>>
    %dma_start3A_175 = arith.constant 12288 : i32
    %dma_start3A_176 = tpu.memref_slice %arg6[%add3A_85, %dma_start3A_175] : memref<64x16384xf32, #tpu.memory_space<hbm>> -> memref<1x4096xf32, #tpu.memory_space<hbm>>
    %dma_start3A_177 = tpu.memref_squeeze %dma_start3A_176 : memref<1x4096xf32, #tpu.memory_space<hbm>> -> memref<4096xf32, #tpu.memory_space<hbm>>
    tpu.enqueue_dma source(%arg12 : memref<4096xf32, #tpu.memory_space<vmem>>) target(%dma_start3A_177 : memref<4096xf32, #tpu.memory_space<hbm>>) target_semaphore(%arg16 : memref<!tpu.dma_semaphore, #tpu.memory_space<semaphore_mem>>)
    %mul3A_178 = arith.constant 2 : i32
    %mul3A_179 = arith.muli %add3A, %mul3A_178 : i32
    %add3A_180 = arith.constant 0 : i32
    %add3A_181 = arith.addi %mul3A_179, %add3A_180 : i32
    "tpu.region"() ({
      %run_scoped3A = tpu.sem_alloc : memref<!tpu.dma_semaphore, #tpu.memory_space<semaphore_mem>>
      %dma_start3A_382 = arith.constant 0 : i32
      %dma_start3A_383 = tpu.memref_slice %arg5[%add3A_181, %dma_start3A_382] : memref<64x100000xf32, #tpu.memory_space<hbm>> -> memref<1x100000xf32, #tpu.memory_space<hbm>>
      %dma_start3A_384 = tpu.memref_squeeze %dma_start3A_383 : memref<1x100000xf32, #tpu.memory_space<hbm>> -> memref<100000xf32, #tpu.memory_space<hbm>>
      %dma_start3A_385 = arith.constant 0 : i32
      %dma_start3A_386 = tpu.memref_slice %arg5[%add3A_181, %dma_start3A_385] : memref<64x100000xf32, #tpu.memory_space<hbm>> -> memref<1x100000xf32, #tpu.memory_space<hbm>>
      %dma_start3A_387 = tpu.memref_squeeze %dma_start3A_386 : memref<1x100000xf32, #tpu.memory_space<hbm>> -> memref<100000xf32, #tpu.memory_space<hbm>>
      tpu.enqueue_dma source(%dma_start3A_387 : memref<100000xf32, #tpu.memory_space<hbm>>) target(%arg8 : memref<100000xf32, #tpu.memory_space<vmem>>) target_semaphore(%run_scoped3A : memref<!tpu.dma_semaphore, #tpu.memory_space<semaphore_mem>>)
      %dma_wait3A_388 = arith.constant 0 : i32
      %dma_wait3A_389 = tpu.memref_slice %arg5[%add3A_181, %dma_wait3A_388] : memref<64x100000xf32, #tpu.memory_space<hbm>> -> memref<1x100000xf32, #tpu.memory_space<hbm>>
      %dma_wait3A_390 = tpu.memref_squeeze %dma_wait3A_389 : memref<1x100000xf32, #tpu.memory_space<hbm>> -> memref<100000xf32, #tpu.memory_space<hbm>>
      %dma_wait3A_391 = arith.constant 0 : i32
      %dma_wait3A_392 = tpu.memref_slice %arg5[%add3A_181, %dma_wait3A_391] : memref<64x100000xf32, #tpu.memory_space<hbm>> -> memref<1x100000xf32, #tpu.memory_space<hbm>>
      %dma_wait3A_393 = tpu.memref_squeeze %dma_wait3A_392 : memref<1x100000xf32, #tpu.memory_space<hbm>> -> memref<100000xf32, #tpu.memory_space<hbm>>
      tpu.wait_dma2 semaphore(%run_scoped3A : memref<!tpu.dma_semaphore, #tpu.memory_space<semaphore_mem>>) src(%dma_wait3A_393 : memref<100000xf32, #tpu.memory_space<hbm>>) dst(%arg8 : memref<100000xf32, #tpu.memory_space<vmem>>)
      tpu.yield
    }) : () -> ()
    %dma_start3A_182 = arith.constant 0 : i32
    %dma_start3A_183 = tpu.memref_slice %arg3[%dma_start3A_182] : memref<16384xi32, #tpu.memory_space<hbm>> -> memref<4096xi32, #tpu.memory_space<hbm>>
    %dma_start3A_184 = arith.constant 0 : i32
    %dma_start3A_185 = tpu.memref_slice %arg3[%dma_start3A_184] : memref<16384xi32, #tpu.memory_space<hbm>> -> memref<4096xi32, #tpu.memory_space<hbm>>
    tpu.enqueue_dma source(%dma_start3A_185 : memref<4096xi32, #tpu.memory_space<hbm>>) target(%arg9 : memref<4096xi32, #tpu.memory_space<vmem>>) target_semaphore(%arg13 : memref<!tpu.dma_semaphore, #tpu.memory_space<semaphore_mem>>)
    %dma_wait3A_186 = arith.constant 0 : i32
    %dma_wait3A_187 = tpu.memref_slice %arg3[%dma_wait3A_186] : memref<16384xi32, #tpu.memory_space<hbm>> -> memref<4096xi32, #tpu.memory_space<hbm>>
    %dma_wait3A_188 = arith.constant 0 : i32
    %dma_wait3A_189 = tpu.memref_slice %arg3[%dma_wait3A_188] : memref<16384xi32, #tpu.memory_space<hbm>> -> memref<4096xi32, #tpu.memory_space<hbm>>
    tpu.wait_dma2 semaphore(%arg13 : memref<!tpu.dma_semaphore, #tpu.memory_space<semaphore_mem>>) src(%dma_wait3A_189 : memref<4096xi32, #tpu.memory_space<hbm>>) dst(%arg9 : memref<4096xi32, #tpu.memory_space<vmem>>)
    %dma_start3A_190 = arith.constant 4096 : i32
    %dma_start3A_191 = tpu.memref_slice %arg3[%dma_start3A_190] : memref<16384xi32, #tpu.memory_space<hbm>> -> memref<4096xi32, #tpu.memory_space<hbm>>
    %dma_start3A_192 = arith.constant 4096 : i32
    %dma_start3A_193 = tpu.memref_slice %arg3[%dma_start3A_192] : memref<16384xi32, #tpu.memory_space<hbm>> -> memref<4096xi32, #tpu.memory_space<hbm>>
    tpu.enqueue_dma source(%dma_start3A_193 : memref<4096xi32, #tpu.memory_space<hbm>>) target(%arg10 : memref<4096xi32, #tpu.memory_space<vmem>>) target_semaphore(%arg14 : memref<!tpu.dma_semaphore, #tpu.memory_space<semaphore_mem>>)
    %dma_wait3A_194 = arith.constant 8192 : i32
    %dma_wait3A_195 = tpu.memref_slice %arg6[%add3A_85, %dma_wait3A_194] : memref<64x16384xf32, #tpu.memory_space<hbm>> -> memref<1x4096xf32, #tpu.memory_space<hbm>>
    %dma_wait3A_196 = tpu.memref_squeeze %dma_wait3A_195 : memref<1x4096xf32, #tpu.memory_space<hbm>> -> memref<4096xf32, #tpu.memory_space<hbm>>
    %dma_wait3A_197 = arith.constant 8192 : i32
    %dma_wait3A_198 = tpu.memref_slice %arg6[%add3A_85, %dma_wait3A_197] : memref<64x16384xf32, #tpu.memory_space<hbm>> -> memref<1x4096xf32, #tpu.memory_space<hbm>>
    %dma_wait3A_199 = tpu.memref_squeeze %dma_wait3A_198 : memref<1x4096xf32, #tpu.memory_space<hbm>> -> memref<4096xf32, #tpu.memory_space<hbm>>
    tpu.wait_dma2 semaphore(%arg15 : memref<!tpu.dma_semaphore, #tpu.memory_space<semaphore_mem>>) src(%arg11 : memref<4096xf32, #tpu.memory_space<vmem>>) dst(%dma_wait3A_199 : memref<4096xf32, #tpu.memory_space<hbm>>)
    %parallel_loop3A_200 = arith.constant 0 : i32
    %parallel_loop3A_201 = arith.constant 256 : i32
    %parallel_loop3A_202 = arith.constant 1 : i32
    scf.for %parallel_loop3A_382 = %parallel_loop3A_200 to %parallel_loop3A_201 step %parallel_loop3A_202  : i32 {
      %parallel_loop3A_383 = arith.constant 16 : i32
      %parallel_loop3A_384 = arith.muli %parallel_loop3A_382, %parallel_loop3A_383 : i32
      %parallel_loop3A_385 = arith.index_cast %parallel_loop3A_384 : i32 to index
      %parallel_loop3A_386 = tpu.vector_load %arg9[%parallel_loop3A_385] {strides = array<i32>} : memref<4096xi32, #tpu.memory_space<vmem>>, vector<16xi32>,
      %parallel_loop3A_387 = tpu.vector_load_idx %arg8[%parallel_loop3A_386] : memref<100000xf32, #tpu.memory_space<vmem>>[vector<16xi32>], vector<16xf32>,
      %parallel_loop3A_388 = arith.index_cast %parallel_loop3A_384 : i32 to index
      %parallel_loop3A_389 = tpu.vector_load %arg11[%parallel_loop3A_388] {strides = array<i32>} : memref<4096xf32, #tpu.memory_space<vmem>>, vector<16xf32>,
      tpu.vector_store %arg11[%parallel_loop3A_388], %parallel_loop3A_387 {strides = array<i32>} : memref<4096xf32, #tpu.memory_space<vmem>>, vector<16xf32>,
    } {sc.loop_unroll_factor = 8 : i64, sc.parallel_access}
    %dma_start3A_203 = arith.constant 0 : i32
    %dma_start3A_204 = tpu.memref_slice %arg7[%add3A_181, %dma_start3A_203] : memref<64x16384xf32, #tpu.memory_space<hbm>> -> memref<1x4096xf32, #tpu.memory_space<hbm>>
    %dma_start3A_205 = tpu.memref_squeeze %dma_start3A_204 : memref<1x4096xf32, #tpu.memory_space<hbm>> -> memref<4096xf32, #tpu.memory_space<hbm>>
    %dma_start3A_206 = arith.constant 0 : i32
    %dma_start3A_207 = tpu.memref_slice %arg7[%add3A_181, %dma_start3A_206] : memref<64x16384xf32, #tpu.memory_space<hbm>> -> memref<1x4096xf32, #tpu.memory_space<hbm>>
    %dma_start3A_208 = tpu.memref_squeeze %dma_start3A_207 : memref<1x4096xf32, #tpu.memory_space<hbm>> -> memref<4096xf32, #tpu.memory_space<hbm>>
    tpu.enqueue_dma source(%arg11 : memref<4096xf32, #tpu.memory_space<vmem>>) target(%dma_start3A_208 : memref<4096xf32, #tpu.memory_space<hbm>>) target_semaphore(%arg15 : memref<!tpu.dma_semaphore, #tpu.memory_space<semaphore_mem>>)
    %dma_wait3A_209 = arith.constant 4096 : i32
    %dma_wait3A_210 = tpu.memref_slice %arg3[%dma_wait3A_209] : memref<16384xi32, #tpu.memory_space<hbm>> -> memref<4096xi32, #tpu.memory_space<hbm>>
    %dma_wait3A_211 = arith.constant 4096 : i32
    %dma_wait3A_212 = tpu.memref_slice %arg3[%dma_wait3A_211] : memref<16384xi32, #tpu.memory_space<hbm>> -> memref<4096xi32, #tpu.memory_space<hbm>>
    tpu.wait_dma2 semaphore(%arg14 : memref<!tpu.dma_semaphore, #tpu.memory_space<semaphore_mem>>) src(%dma_wait3A_212 : memref<4096xi32, #tpu.memory_space<hbm>>) dst(%arg10 : memref<4096xi32, #tpu.memory_space<vmem>>)
    %dma_start3A_213 = arith.constant 8192 : i32
    %dma_start3A_214 = tpu.memref_slice %arg3[%dma_start3A_213] : memref<16384xi32, #tpu.memory_space<hbm>> -> memref<4096xi32, #tpu.memory_space<hbm>>
    %dma_start3A_215 = arith.constant 8192 : i32
    %dma_start3A_216 = tpu.memref_slice %arg3[%dma_start3A_215] : memref<16384xi32, #tpu.memory_space<hbm>> -> memref<4096xi32, #tpu.memory_space<hbm>>
    tpu.enqueue_dma source(%dma_start3A_216 : memref<4096xi32, #tpu.memory_space<hbm>>) target(%arg9 : memref<4096xi32, #tpu.memory_space<vmem>>) target_semaphore(%arg13 : memref<!tpu.dma_semaphore, #tpu.memory_space<semaphore_mem>>)
    %dma_wait3A_217 = arith.constant 12288 : i32
    %dma_wait3A_218 = tpu.memref_slice %arg6[%add3A_85, %dma_wait3A_217] : memref<64x16384xf32, #tpu.memory_space<hbm>> -> memref<1x4096xf32, #tpu.memory_space<hbm>>
    %dma_wait3A_219 = tpu.memref_squeeze %dma_wait3A_218 : memref<1x4096xf32, #tpu.memory_space<hbm>> -> memref<4096xf32, #tpu.memory_space<hbm>>
    %dma_wait3A_220 = arith.constant 12288 : i32
    %dma_wait3A_221 = tpu.memref_slice %arg6[%add3A_85, %dma_wait3A_220] : memref<64x16384xf32, #tpu.memory_space<hbm>> -> memref<1x4096xf32, #tpu.memory_space<hbm>>
    %dma_wait3A_222 = tpu.memref_squeeze %dma_wait3A_221 : memref<1x4096xf32, #tpu.memory_space<hbm>> -> memref<4096xf32, #tpu.memory_space<hbm>>
    tpu.wait_dma2 semaphore(%arg16 : memref<!tpu.dma_semaphore, #tpu.memory_space<semaphore_mem>>) src(%arg12 : memref<4096xf32, #tpu.memory_space<vmem>>) dst(%dma_wait3A_222 : memref<4096xf32, #tpu.memory_space<hbm>>)
    %parallel_loop3A_223 = arith.constant 0 : i32
    %parallel_loop3A_224 = arith.constant 256 : i32
    %parallel_loop3A_225 = arith.constant 1 : i32
    scf.for %parallel_loop3A_382 = %parallel_loop3A_223 to %parallel_loop3A_224 step %parallel_loop3A_225  : i32 {
      %parallel_loop3A_383 = arith.constant 16 : i32
      %parallel_loop3A_384 = arith.muli %parallel_loop3A_382, %parallel_loop3A_383 : i32
      %parallel_loop3A_385 = arith.index_cast %parallel_loop3A_384 : i32 to index
      %parallel_loop3A_386 = tpu.vector_load %arg10[%parallel_loop3A_385] {strides = array<i32>} : memref<4096xi32, #tpu.memory_space<vmem>>, vector<16xi32>,
      %parallel_loop3A_387 = tpu.vector_load_idx %arg8[%parallel_loop3A_386] : memref<100000xf32, #tpu.memory_space<vmem>>[vector<16xi32>], vector<16xf32>,
      %parallel_loop3A_388 = arith.index_cast %parallel_loop3A_384 : i32 to index
      %parallel_loop3A_389 = tpu.vector_load %arg12[%parallel_loop3A_388] {strides = array<i32>} : memref<4096xf32, #tpu.memory_space<vmem>>, vector<16xf32>,
      tpu.vector_store %arg12[%parallel_loop3A_388], %parallel_loop3A_387 {strides = array<i32>} : memref<4096xf32, #tpu.memory_space<vmem>>, vector<16xf32>,
    } {sc.loop_unroll_factor = 8 : i64, sc.parallel_access}
    %dma_start3A_226 = arith.constant 4096 : i32
    %dma_start3A_227 = tpu.memref_slice %arg7[%add3A_181, %dma_start3A_226] : memref<64x16384xf32, #tpu.memory_space<hbm>> -> memref<1x4096xf32, #tpu.memory_space<hbm>>
    %dma_start3A_228 = tpu.memref_squeeze %dma_start3A_227 : memref<1x4096xf32, #tpu.memory_space<hbm>> -> memref<4096xf32, #tpu.memory_space<hbm>>
    %dma_start3A_229 = arith.constant 4096 : i32
    %dma_start3A_230 = tpu.memref_slice %arg7[%add3A_181, %dma_start3A_229] : memref<64x16384xf32, #tpu.memory_space<hbm>> -> memref<1x4096xf32, #tpu.memory_space<hbm>>
    %dma_start3A_231 = tpu.memref_squeeze %dma_start3A_230 : memref<1x4096xf32, #tpu.memory_space<hbm>> -> memref<4096xf32, #tpu.memory_space<hbm>>
    tpu.enqueue_dma source(%arg12 : memref<4096xf32, #tpu.memory_space<vmem>>) target(%dma_start3A_231 : memref<4096xf32, #tpu.memory_space<hbm>>) target_semaphore(%arg16 : memref<!tpu.dma_semaphore, #tpu.memory_space<semaphore_mem>>)
    %dma_wait3A_232 = arith.constant 8192 : i32
    %dma_wait3A_233 = tpu.memref_slice %arg3[%dma_wait3A_232] : memref<16384xi32, #tpu.memory_space<hbm>> -> memref<4096xi32, #tpu.memory_space<hbm>>
    %dma_wait3A_234 = arith.constant 8192 : i32
    %dma_wait3A_235 = tpu.memref_slice %arg3[%dma_wait3A_234] : memref<16384xi32, #tpu.memory_space<hbm>> -> memref<4096xi32, #tpu.memory_space<hbm>>
    tpu.wait_dma2 semaphore(%arg13 : memref<!tpu.dma_semaphore, #tpu.memory_space<semaphore_mem>>) src(%dma_wait3A_235 : memref<4096xi32, #tpu.memory_space<hbm>>) dst(%arg9 : memref<4096xi32, #tpu.memory_space<vmem>>)
    %dma_start3A_236 = arith.constant 12288 : i32
    %dma_start3A_237 = tpu.memref_slice %arg3[%dma_start3A_236] : memref<16384xi32, #tpu.memory_space<hbm>> -> memref<4096xi32, #tpu.memory_space<hbm>>
    %dma_start3A_238 = arith.constant 12288 : i32
    %dma_start3A_239 = tpu.memref_slice %arg3[%dma_start3A_238] : memref<16384xi32, #tpu.memory_space<hbm>> -> memref<4096xi32, #tpu.memory_space<hbm>>
    tpu.enqueue_dma source(%dma_start3A_239 : memref<4096xi32, #tpu.memory_space<hbm>>) target(%arg10 : memref<4096xi32, #tpu.memory_space<vmem>>) target_semaphore(%arg14 : memref<!tpu.dma_semaphore, #tpu.memory_space<semaphore_mem>>)
    %dma_wait3A_240 = arith.constant 0 : i32
    %dma_wait3A_241 = tpu.memref_slice %arg7[%add3A_181, %dma_wait3A_240] : memref<64x16384xf32, #tpu.memory_space<hbm>> -> memref<1x4096xf32, #tpu.memory_space<hbm>>
    %dma_wait3A_242 = tpu.memref_squeeze %dma_wait3A_241 : memref<1x4096xf32, #tpu.memory_space<hbm>> -> memref<4096xf32, #tpu.memory_space<hbm>>
    %dma_wait3A_243 = arith.constant 0 : i32
    %dma_wait3A_244 = tpu.memref_slice %arg7[%add3A_181, %dma_wait3A_243] : memref<64x16384xf32, #tpu.memory_space<hbm>> -> memref<1x4096xf32, #tpu.memory_space<hbm>>
    %dma_wait3A_245 = tpu.memref_squeeze %dma_wait3A_244 : memref<1x4096xf32, #tpu.memory_space<hbm>> -> memref<4096xf32, #tpu.memory_space<hbm>>
    tpu.wait_dma2 semaphore(%arg15 : memref<!tpu.dma_semaphore, #tpu.memory_space<semaphore_mem>>) src(%arg11 : memref<4096xf32, #tpu.memory_space<vmem>>) dst(%dma_wait3A_245 : memref<4096xf32, #tpu.memory_space<hbm>>)
    %parallel_loop3A_246 = arith.constant 0 : i32
    %parallel_loop3A_247 = arith.constant 256 : i32
    %parallel_loop3A_248 = arith.constant 1 : i32
    scf.for %parallel_loop3A_382 = %parallel_loop3A_246 to %parallel_loop3A_247 step %parallel_loop3A_248  : i32 {
      %parallel_loop3A_383 = arith.constant 16 : i32
      %parallel_loop3A_384 = arith.muli %parallel_loop3A_382, %parallel_loop3A_383 : i32
      %parallel_loop3A_385 = arith.index_cast %parallel_loop3A_384 : i32 to index
      %parallel_loop3A_386 = tpu.vector_load %arg9[%parallel_loop3A_385] {strides = array<i32>} : memref<4096xi32, #tpu.memory_space<vmem>>, vector<16xi32>,
      %parallel_loop3A_387 = tpu.vector_load_idx %arg8[%parallel_loop3A_386] : memref<100000xf32, #tpu.memory_space<vmem>>[vector<16xi32>], vector<16xf32>,
      %parallel_loop3A_388 = arith.index_cast %parallel_loop3A_384 : i32 to index
      %parallel_loop3A_389 = tpu.vector_load %arg11[%parallel_loop3A_388] {strides = array<i32>} : memref<4096xf32, #tpu.memory_space<vmem>>, vector<16xf32>,
      tpu.vector_store %arg11[%parallel_loop3A_388], %parallel_loop3A_387 {strides = array<i32>} : memref<4096xf32, #tpu.memory_space<vmem>>, vector<16xf32>,
    } {sc.loop_unroll_factor = 8 : i64, sc.parallel_access}
    %dma_start3A_249 = arith.constant 8192 : i32
    %dma_start3A_250 = tpu.memref_slice %arg7[%add3A_181, %dma_start3A_249] : memref<64x16384xf32, #tpu.memory_space<hbm>> -> memref<1x4096xf32, #tpu.memory_space<hbm>>
    %dma_start3A_251 = tpu.memref_squeeze %dma_start3A_250 : memref<1x4096xf32, #tpu.memory_space<hbm>> -> memref<4096xf32, #tpu.memory_space<hbm>>
    %dma_start3A_252 = arith.constant 8192 : i32
    %dma_start3A_253 = tpu.memref_slice %arg7[%add3A_181, %dma_start3A_252] : memref<64x16384xf32, #tpu.memory_space<hbm>> -> memref<1x4096xf32, #tpu.memory_space<hbm>>
    %dma_start3A_254 = tpu.memref_squeeze %dma_start3A_253 : memref<1x4096xf32, #tpu.memory_space<hbm>> -> memref<4096xf32, #tpu.memory_space<hbm>>
    tpu.enqueue_dma source(%arg11 : memref<4096xf32, #tpu.memory_space<vmem>>) target(%dma_start3A_254 : memref<4096xf32, #tpu.memory_space<hbm>>) target_semaphore(%arg15 : memref<!tpu.dma_semaphore, #tpu.memory_space<semaphore_mem>>)
    %dma_wait3A_255 = arith.constant 12288 : i32
    %dma_wait3A_256 = tpu.memref_slice %arg3[%dma_wait3A_255] : memref<16384xi32, #tpu.memory_space<hbm>> -> memref<4096xi32, #tpu.memory_space<hbm>>
    %dma_wait3A_257 = arith.constant 12288 : i32
    %dma_wait3A_258 = tpu.memref_slice %arg3[%dma_wait3A_257] : memref<16384xi32, #tpu.memory_space<hbm>> -> memref<4096xi32, #tpu.memory_space<hbm>>
    tpu.wait_dma2 semaphore(%arg14 : memref<!tpu.dma_semaphore, #tpu.memory_space<semaphore_mem>>) src(%dma_wait3A_258 : memref<4096xi32, #tpu.memory_space<hbm>>) dst(%arg10 : memref<4096xi32, #tpu.memory_space<vmem>>)
    %dma_wait3A_259 = arith.constant 4096 : i32
    %dma_wait3A_260 = tpu.memref_slice %arg7[%add3A_181, %dma_wait3A_259] : memref<64x16384xf32, #tpu.memory_space<hbm>> -> memref<1x4096xf32, #tpu.memory_space<hbm>>
    %dma_wait3A_261 = tpu.memref_squeeze %dma_wait3A_260 : memref<1x4096xf32, #tpu.memory_space<hbm>> -> memref<4096xf32, #tpu.memory_space<hbm>>
    %dma_wait3A_262 = arith.constant 4096 : i32
    %dma_wait3A_263 = tpu.memref_slice %arg7[%add3A_181, %dma_wait3A_262] : memref<64x16384xf32, #tpu.memory_space<hbm>> -> memref<1x4096xf32, #tpu.memory_space<hbm>>
    %dma_wait3A_264 = tpu.memref_squeeze %dma_wait3A_263 : memref<1x4096xf32, #tpu.memory_space<hbm>> -> memref<4096xf32, #tpu.memory_space<hbm>>
    tpu.wait_dma2 semaphore(%arg16 : memref<!tpu.dma_semaphore, #tpu.memory_space<semaphore_mem>>) src(%arg12 : memref<4096xf32, #tpu.memory_space<vmem>>) dst(%dma_wait3A_264 : memref<4096xf32, #tpu.memory_space<hbm>>)
    %parallel_loop3A_265 = arith.constant 0 : i32
    %parallel_loop3A_266 = arith.constant 256 : i32
    %parallel_loop3A_267 = arith.constant 1 : i32
    scf.for %parallel_loop3A_382 = %parallel_loop3A_265 to %parallel_loop3A_266 step %parallel_loop3A_267  : i32 {
      %parallel_loop3A_383 = arith.constant 16 : i32
      %parallel_loop3A_384 = arith.muli %parallel_loop3A_382, %parallel_loop3A_383 : i32
      %parallel_loop3A_385 = arith.index_cast %parallel_loop3A_384 : i32 to index
      %parallel_loop3A_386 = tpu.vector_load %arg10[%parallel_loop3A_385] {strides = array<i32>} : memref<4096xi32, #tpu.memory_space<vmem>>, vector<16xi32>,
      %parallel_loop3A_387 = tpu.vector_load_idx %arg8[%parallel_loop3A_386] : memref<100000xf32, #tpu.memory_space<vmem>>[vector<16xi32>], vector<16xf32>,
      %parallel_loop3A_388 = arith.index_cast %parallel_loop3A_384 : i32 to index
      %parallel_loop3A_389 = tpu.vector_load %arg12[%parallel_loop3A_388] {strides = array<i32>} : memref<4096xf32, #tpu.memory_space<vmem>>, vector<16xf32>,
      tpu.vector_store %arg12[%parallel_loop3A_388], %parallel_loop3A_387 {strides = array<i32>} : memref<4096xf32, #tpu.memory_space<vmem>>, vector<16xf32>,
    } {sc.loop_unroll_factor = 8 : i64, sc.parallel_access}
    %dma_start3A_268 = arith.constant 12288 : i32
    %dma_start3A_269 = tpu.memref_slice %arg7[%add3A_181, %dma_start3A_268] : memref<64x16384xf32, #tpu.memory_space<hbm>> -> memref<1x4096xf32, #tpu.memory_space<hbm>>
    %dma_start3A_270 = tpu.memref_squeeze %dma_start3A_269 : memref<1x4096xf32, #tpu.memory_space<hbm>> -> memref<4096xf32, #tpu.memory_space<hbm>>
    %dma_start3A_271 = arith.constant 12288 : i32
    %dma_start3A_272 = tpu.memref_slice %arg7[%add3A_181, %dma_start3A_271] : memref<64x16384xf32, #tpu.memory_space<hbm>> -> memref<1x4096xf32, #tpu.memory_space<hbm>>
    %dma_start3A_273 = tpu.memref_squeeze %dma_start3A_272 : memref<1x4096xf32, #tpu.memory_space<hbm>> -> memref<4096xf32, #tpu.memory_space<hbm>>
    tpu.enqueue_dma source(%arg12 : memref<4096xf32, #tpu.memory_space<vmem>>) target(%dma_start3A_273 : memref<4096xf32, #tpu.memory_space<hbm>>) target_semaphore(%arg16 : memref<!tpu.dma_semaphore, #tpu.memory_space<semaphore_mem>>)
    %mul3A_274 = arith.constant 2 : i32
    %mul3A_275 = arith.muli %add3A, %mul3A_274 : i32
    %add3A_276 = arith.constant 1 : i32
    %add3A_277 = arith.addi %mul3A_275, %add3A_276 : i32
    "tpu.region"() ({
      %run_scoped3A = tpu.sem_alloc : memref<!tpu.dma_semaphore, #tpu.memory_space<semaphore_mem>>
      %dma_start3A_382 = arith.constant 0 : i32
      %dma_start3A_383 = tpu.memref_slice %arg5[%add3A_277, %dma_start3A_382] : memref<64x100000xf32, #tpu.memory_space<hbm>> -> memref<1x100000xf32, #tpu.memory_space<hbm>>
      %dma_start3A_384 = tpu.memref_squeeze %dma_start3A_383 : memref<1x100000xf32, #tpu.memory_space<hbm>> -> memref<100000xf32, #tpu.memory_space<hbm>>
      %dma_start3A_385 = arith.constant 0 : i32
      %dma_start3A_386 = tpu.memref_slice %arg5[%add3A_277, %dma_start3A_385] : memref<64x100000xf32, #tpu.memory_space<hbm>> -> memref<1x100000xf32, #tpu.memory_space<hbm>>
      %dma_start3A_387 = tpu.memref_squeeze %dma_start3A_386 : memref<1x100000xf32, #tpu.memory_space<hbm>> -> memref<100000xf32, #tpu.memory_space<hbm>>
      tpu.enqueue_dma source(%dma_start3A_387 : memref<100000xf32, #tpu.memory_space<hbm>>) target(%arg8 : memref<100000xf32, #tpu.memory_space<vmem>>) target_semaphore(%run_scoped3A : memref<!tpu.dma_semaphore, #tpu.memory_space<semaphore_mem>>)
      %dma_wait3A_388 = arith.constant 0 : i32
      %dma_wait3A_389 = tpu.memref_slice %arg5[%add3A_277, %dma_wait3A_388] : memref<64x100000xf32, #tpu.memory_space<hbm>> -> memref<1x100000xf32, #tpu.memory_space<hbm>>
      %dma_wait3A_390 = tpu.memref_squeeze %dma_wait3A_389 : memref<1x100000xf32, #tpu.memory_space<hbm>> -> memref<100000xf32, #tpu.memory_space<hbm>>
      %dma_wait3A_391 = arith.constant 0 : i32
      %dma_wait3A_392 = tpu.memref_slice %arg5[%add3A_277, %dma_wait3A_391] : memref<64x100000xf32, #tpu.memory_space<hbm>> -> memref<1x100000xf32, #tpu.memory_space<hbm>>
      %dma_wait3A_393 = tpu.memref_squeeze %dma_wait3A_392 : memref<1x100000xf32, #tpu.memory_space<hbm>> -> memref<100000xf32, #tpu.memory_space<hbm>>
      tpu.wait_dma2 semaphore(%run_scoped3A : memref<!tpu.dma_semaphore, #tpu.memory_space<semaphore_mem>>) src(%dma_wait3A_393 : memref<100000xf32, #tpu.memory_space<hbm>>) dst(%arg8 : memref<100000xf32, #tpu.memory_space<vmem>>)
      tpu.yield
    }) : () -> ()
    %dma_start3A_278 = arith.constant 0 : i32
    %dma_start3A_279 = tpu.memref_slice %arg3[%dma_start3A_278] : memref<16384xi32, #tpu.memory_space<hbm>> -> memref<4096xi32, #tpu.memory_space<hbm>>
    %dma_start3A_280 = arith.constant 0 : i32
    %dma_start3A_281 = tpu.memref_slice %arg3[%dma_start3A_280] : memref<16384xi32, #tpu.memory_space<hbm>> -> memref<4096xi32, #tpu.memory_space<hbm>>
    tpu.enqueue_dma source(%dma_start3A_281 : memref<4096xi32, #tpu.memory_space<hbm>>) target(%arg9 : memref<4096xi32, #tpu.memory_space<vmem>>) target_semaphore(%arg13 : memref<!tpu.dma_semaphore, #tpu.memory_space<semaphore_mem>>)
    %dma_wait3A_282 = arith.constant 0 : i32
    %dma_wait3A_283 = tpu.memref_slice %arg3[%dma_wait3A_282] : memref<16384xi32, #tpu.memory_space<hbm>> -> memref<4096xi32, #tpu.memory_space<hbm>>
    %dma_wait3A_284 = arith.constant 0 : i32
    %dma_wait3A_285 = tpu.memref_slice %arg3[%dma_wait3A_284] : memref<16384xi32, #tpu.memory_space<hbm>> -> memref<4096xi32, #tpu.memory_space<hbm>>
    tpu.wait_dma2 semaphore(%arg13 : memref<!tpu.dma_semaphore, #tpu.memory_space<semaphore_mem>>) src(%dma_wait3A_285 : memref<4096xi32, #tpu.memory_space<hbm>>) dst(%arg9 : memref<4096xi32, #tpu.memory_space<vmem>>)
    %dma_start3A_286 = arith.constant 4096 : i32
    %dma_start3A_287 = tpu.memref_slice %arg3[%dma_start3A_286] : memref<16384xi32, #tpu.memory_space<hbm>> -> memref<4096xi32, #tpu.memory_space<hbm>>
    %dma_start3A_288 = arith.constant 4096 : i32
    %dma_start3A_289 = tpu.memref_slice %arg3[%dma_start3A_288] : memref<16384xi32, #tpu.memory_space<hbm>> -> memref<4096xi32, #tpu.memory_space<hbm>>
    tpu.enqueue_dma source(%dma_start3A_289 : memref<4096xi32, #tpu.memory_space<hbm>>) target(%arg10 : memref<4096xi32, #tpu.memory_space<vmem>>) target_semaphore(%arg14 : memref<!tpu.dma_semaphore, #tpu.memory_space<semaphore_mem>>)
    %dma_wait3A_290 = arith.constant 8192 : i32
    %dma_wait3A_291 = tpu.memref_slice %arg7[%add3A_181, %dma_wait3A_290] : memref<64x16384xf32, #tpu.memory_space<hbm>> -> memref<1x4096xf32, #tpu.memory_space<hbm>>
    %dma_wait3A_292 = tpu.memref_squeeze %dma_wait3A_291 : memref<1x4096xf32, #tpu.memory_space<hbm>> -> memref<4096xf32, #tpu.memory_space<hbm>>
    %dma_wait3A_293 = arith.constant 8192 : i32
    %dma_wait3A_294 = tpu.memref_slice %arg7[%add3A_181, %dma_wait3A_293] : memref<64x16384xf32, #tpu.memory_space<hbm>> -> memref<1x4096xf32, #tpu.memory_space<hbm>>
    %dma_wait3A_295 = tpu.memref_squeeze %dma_wait3A_294 : memref<1x4096xf32, #tpu.memory_space<hbm>> -> memref<4096xf32, #tpu.memory_space<hbm>>
    tpu.wait_dma2 semaphore(%arg15 : memref<!tpu.dma_semaphore, #tpu.memory_space<semaphore_mem>>) src(%arg11 : memref<4096xf32, #tpu.memory_space<vmem>>) dst(%dma_wait3A_295 : memref<4096xf32, #tpu.memory_space<hbm>>)
    %parallel_loop3A_296 = arith.constant 0 : i32
    %parallel_loop3A_297 = arith.constant 256 : i32
    %parallel_loop3A_298 = arith.constant 1 : i32
    scf.for %parallel_loop3A_382 = %parallel_loop3A_296 to %parallel_loop3A_297 step %parallel_loop3A_298  : i32 {
      %parallel_loop3A_383 = arith.constant 16 : i32
      %parallel_loop3A_384 = arith.muli %parallel_loop3A_382, %parallel_loop3A_383 : i32
      %parallel_loop3A_385 = arith.index_cast %parallel_loop3A_384 : i32 to index
      %parallel_loop3A_386 = tpu.vector_load %arg9[%parallel_loop3A_385] {strides = array<i32>} : memref<4096xi32, #tpu.memory_space<vmem>>, vector<16xi32>,
      %parallel_loop3A_387 = tpu.vector_load_idx %arg8[%parallel_loop3A_386] : memref<100000xf32, #tpu.memory_space<vmem>>[vector<16xi32>], vector<16xf32>,
      %parallel_loop3A_388 = arith.index_cast %parallel_loop3A_384 : i32 to index
      %parallel_loop3A_389 = tpu.vector_load %arg11[%parallel_loop3A_388] {strides = array<i32>} : memref<4096xf32, #tpu.memory_space<vmem>>, vector<16xf32>,
      tpu.vector_store %arg11[%parallel_loop3A_388], %parallel_loop3A_387 {strides = array<i32>} : memref<4096xf32, #tpu.memory_space<vmem>>, vector<16xf32>,
    } {sc.loop_unroll_factor = 8 : i64, sc.parallel_access}
    %dma_start3A_299 = arith.constant 0 : i32
    %dma_start3A_300 = tpu.memref_slice %arg7[%add3A_277, %dma_start3A_299] : memref<64x16384xf32, #tpu.memory_space<hbm>> -> memref<1x4096xf32, #tpu.memory_space<hbm>>
    %dma_start3A_301 = tpu.memref_squeeze %dma_start3A_300 : memref<1x4096xf32, #tpu.memory_space<hbm>> -> memref<4096xf32, #tpu.memory_space<hbm>>
    %dma_start3A_302 = arith.constant 0 : i32
    %dma_start3A_303 = tpu.memref_slice %arg7[%add3A_277, %dma_start3A_302] : memref<64x16384xf32, #tpu.memory_space<hbm>> -> memref<1x4096xf32, #tpu.memory_space<hbm>>
    %dma_start3A_304 = tpu.memref_squeeze %dma_start3A_303 : memref<1x4096xf32, #tpu.memory_space<hbm>> -> memref<4096xf32, #tpu.memory_space<hbm>>
    tpu.enqueue_dma source(%arg11 : memref<4096xf32, #tpu.memory_space<vmem>>) target(%dma_start3A_304 : memref<4096xf32, #tpu.memory_space<hbm>>) target_semaphore(%arg15 : memref<!tpu.dma_semaphore, #tpu.memory_space<semaphore_mem>>)
    %dma_wait3A_305 = arith.constant 4096 : i32
    %dma_wait3A_306 = tpu.memref_slice %arg3[%dma_wait3A_305] : memref<16384xi32, #tpu.memory_space<hbm>> -> memref<4096xi32, #tpu.memory_space<hbm>>
    %dma_wait3A_307 = arith.constant 4096 : i32
    %dma_wait3A_308 = tpu.memref_slice %arg3[%dma_wait3A_307] : memref<16384xi32, #tpu.memory_space<hbm>> -> memref<4096xi32, #tpu.memory_space<hbm>>
    tpu.wait_dma2 semaphore(%arg14 : memref<!tpu.dma_semaphore, #tpu.memory_space<semaphore_mem>>) src(%dma_wait3A_308 : memref<4096xi32, #tpu.memory_space<hbm>>) dst(%arg10 : memref<4096xi32, #tpu.memory_space<vmem>>)
    %dma_start3A_309 = arith.constant 8192 : i32
    %dma_start3A_310 = tpu.memref_slice %arg3[%dma_start3A_309] : memref<16384xi32, #tpu.memory_space<hbm>> -> memref<4096xi32, #tpu.memory_space<hbm>>
    %dma_start3A_311 = arith.constant 8192 : i32
    %dma_start3A_312 = tpu.memref_slice %arg3[%dma_start3A_311] : memref<16384xi32, #tpu.memory_space<hbm>> -> memref<4096xi32, #tpu.memory_space<hbm>>
    tpu.enqueue_dma source(%dma_start3A_312 : memref<4096xi32, #tpu.memory_space<hbm>>) target(%arg9 : memref<4096xi32, #tpu.memory_space<vmem>>) target_semaphore(%arg13 : memref<!tpu.dma_semaphore, #tpu.memory_space<semaphore_mem>>)
    %dma_wait3A_313 = arith.constant 12288 : i32
    %dma_wait3A_314 = tpu.memref_slice %arg7[%add3A_181, %dma_wait3A_313] : memref<64x16384xf32, #tpu.memory_space<hbm>> -> memref<1x4096xf32, #tpu.memory_space<hbm>>
    %dma_wait3A_315 = tpu.memref_squeeze %dma_wait3A_314 : memref<1x4096xf32, #tpu.memory_space<hbm>> -> memref<4096xf32, #tpu.memory_space<hbm>>
    %dma_wait3A_316 = arith.constant 12288 : i32
    %dma_wait3A_317 = tpu.memref_slice %arg7[%add3A_181, %dma_wait3A_316] : memref<64x16384xf32, #tpu.memory_space<hbm>> -> memref<1x4096xf32, #tpu.memory_space<hbm>>
    %dma_wait3A_318 = tpu.memref_squeeze %dma_wait3A_317 : memref<1x4096xf32, #tpu.memory_space<hbm>> -> memref<4096xf32, #tpu.memory_space<hbm>>
    tpu.wait_dma2 semaphore(%arg16 : memref<!tpu.dma_semaphore, #tpu.memory_space<semaphore_mem>>) src(%arg12 : memref<4096xf32, #tpu.memory_space<vmem>>) dst(%dma_wait3A_318 : memref<4096xf32, #tpu.memory_space<hbm>>)
    %parallel_loop3A_319 = arith.constant 0 : i32
    %parallel_loop3A_320 = arith.constant 256 : i32
    %parallel_loop3A_321 = arith.constant 1 : i32
    scf.for %parallel_loop3A_382 = %parallel_loop3A_319 to %parallel_loop3A_320 step %parallel_loop3A_321  : i32 {
      %parallel_loop3A_383 = arith.constant 16 : i32
      %parallel_loop3A_384 = arith.muli %parallel_loop3A_382, %parallel_loop3A_383 : i32
      %parallel_loop3A_385 = arith.index_cast %parallel_loop3A_384 : i32 to index
      %parallel_loop3A_386 = tpu.vector_load %arg10[%parallel_loop3A_385] {strides = array<i32>} : memref<4096xi32, #tpu.memory_space<vmem>>, vector<16xi32>,
      %parallel_loop3A_387 = tpu.vector_load_idx %arg8[%parallel_loop3A_386] : memref<100000xf32, #tpu.memory_space<vmem>>[vector<16xi32>], vector<16xf32>,
      %parallel_loop3A_388 = arith.index_cast %parallel_loop3A_384 : i32 to index
      %parallel_loop3A_389 = tpu.vector_load %arg12[%parallel_loop3A_388] {strides = array<i32>} : memref<4096xf32, #tpu.memory_space<vmem>>, vector<16xf32>,
      tpu.vector_store %arg12[%parallel_loop3A_388], %parallel_loop3A_387 {strides = array<i32>} : memref<4096xf32, #tpu.memory_space<vmem>>, vector<16xf32>,
    } {sc.loop_unroll_factor = 8 : i64, sc.parallel_access}
    %dma_start3A_322 = arith.constant 4096 : i32
    %dma_start3A_323 = tpu.memref_slice %arg7[%add3A_277, %dma_start3A_322] : memref<64x16384xf32, #tpu.memory_space<hbm>> -> memref<1x4096xf32, #tpu.memory_space<hbm>>
    %dma_start3A_324 = tpu.memref_squeeze %dma_start3A_323 : memref<1x4096xf32, #tpu.memory_space<hbm>> -> memref<4096xf32, #tpu.memory_space<hbm>>
    %dma_start3A_325 = arith.constant 4096 : i32
    %dma_start3A_326 = tpu.memref_slice %arg7[%add3A_277, %dma_start3A_325] : memref<64x16384xf32, #tpu.memory_space<hbm>> -> memref<1x4096xf32, #tpu.memory_space<hbm>>
    %dma_start3A_327 = tpu.memref_squeeze %dma_start3A_326 : memref<1x4096xf32, #tpu.memory_space<hbm>> -> memref<4096xf32, #tpu.memory_space<hbm>>
    tpu.enqueue_dma source(%arg12 : memref<4096xf32, #tpu.memory_space<vmem>>) target(%dma_start3A_327 : memref<4096xf32, #tpu.memory_space<hbm>>) target_semaphore(%arg16 : memref<!tpu.dma_semaphore, #tpu.memory_space<semaphore_mem>>)
    %dma_wait3A_328 = arith.constant 8192 : i32
    %dma_wait3A_329 = tpu.memref_slice %arg3[%dma_wait3A_328] : memref<16384xi32, #tpu.memory_space<hbm>> -> memref<4096xi32, #tpu.memory_space<hbm>>
    %dma_wait3A_330 = arith.constant 8192 : i32
    %dma_wait3A_331 = tpu.memref_slice %arg3[%dma_wait3A_330] : memref<16384xi32, #tpu.memory_space<hbm>> -> memref<4096xi32, #tpu.memory_space<hbm>>
    tpu.wait_dma2 semaphore(%arg13 : memref<!tpu.dma_semaphore, #tpu.memory_space<semaphore_mem>>) src(%dma_wait3A_331 : memref<4096xi32, #tpu.memory_space<hbm>>) dst(%arg9 : memref<4096xi32, #tpu.memory_space<vmem>>)
    %dma_start3A_332 = arith.constant 12288 : i32
    %dma_start3A_333 = tpu.memref_slice %arg3[%dma_start3A_332] : memref<16384xi32, #tpu.memory_space<hbm>> -> memref<4096xi32, #tpu.memory_space<hbm>>
    %dma_start3A_334 = arith.constant 12288 : i32
    %dma_start3A_335 = tpu.memref_slice %arg3[%dma_start3A_334] : memref<16384xi32, #tpu.memory_space<hbm>> -> memref<4096xi32, #tpu.memory_space<hbm>>
    tpu.enqueue_dma source(%dma_start3A_335 : memref<4096xi32, #tpu.memory_space<hbm>>) target(%arg10 : memref<4096xi32, #tpu.memory_space<vmem>>) target_semaphore(%arg14 : memref<!tpu.dma_semaphore, #tpu.memory_space<semaphore_mem>>)
    %dma_wait3A_336 = arith.constant 0 : i32
    %dma_wait3A_337 = tpu.memref_slice %arg7[%add3A_277, %dma_wait3A_336] : memref<64x16384xf32, #tpu.memory_space<hbm>> -> memref<1x4096xf32, #tpu.memory_space<hbm>>
    %dma_wait3A_338 = tpu.memref_squeeze %dma_wait3A_337 : memref<1x4096xf32, #tpu.memory_space<hbm>> -> memref<4096xf32, #tpu.memory_space<hbm>>
    %dma_wait3A_339 = arith.constant 0 : i32
    %dma_wait3A_340 = tpu.memref_slice %arg7[%add3A_277, %dma_wait3A_339] : memref<64x16384xf32, #tpu.memory_space<hbm>> -> memref<1x4096xf32, #tpu.memory_space<hbm>>
    %dma_wait3A_341 = tpu.memref_squeeze %dma_wait3A_340 : memref<1x4096xf32, #tpu.memory_space<hbm>> -> memref<4096xf32, #tpu.memory_space<hbm>>
    tpu.wait_dma2 semaphore(%arg15 : memref<!tpu.dma_semaphore, #tpu.memory_space<semaphore_mem>>) src(%arg11 : memref<4096xf32, #tpu.memory_space<vmem>>) dst(%dma_wait3A_341 : memref<4096xf32, #tpu.memory_space<hbm>>)
    %parallel_loop3A_342 = arith.constant 0 : i32
    %parallel_loop3A_343 = arith.constant 256 : i32
    %parallel_loop3A_344 = arith.constant 1 : i32
    scf.for %parallel_loop3A_382 = %parallel_loop3A_342 to %parallel_loop3A_343 step %parallel_loop3A_344  : i32 {
      %parallel_loop3A_383 = arith.constant 16 : i32
      %parallel_loop3A_384 = arith.muli %parallel_loop3A_382, %parallel_loop3A_383 : i32
      %parallel_loop3A_385 = arith.index_cast %parallel_loop3A_384 : i32 to index
      %parallel_loop3A_386 = tpu.vector_load %arg9[%parallel_loop3A_385] {strides = array<i32>} : memref<4096xi32, #tpu.memory_space<vmem>>, vector<16xi32>,
      %parallel_loop3A_387 = tpu.vector_load_idx %arg8[%parallel_loop3A_386] : memref<100000xf32, #tpu.memory_space<vmem>>[vector<16xi32>], vector<16xf32>,
      %parallel_loop3A_388 = arith.index_cast %parallel_loop3A_384 : i32 to index
      %parallel_loop3A_389 = tpu.vector_load %arg11[%parallel_loop3A_388] {strides = array<i32>} : memref<4096xf32, #tpu.memory_space<vmem>>, vector<16xf32>,
      tpu.vector_store %arg11[%parallel_loop3A_388], %parallel_loop3A_387 {strides = array<i32>} : memref<4096xf32, #tpu.memory_space<vmem>>, vector<16xf32>,
    } {sc.loop_unroll_factor = 8 : i64, sc.parallel_access}
    %dma_start3A_345 = arith.constant 8192 : i32
    %dma_start3A_346 = tpu.memref_slice %arg7[%add3A_277, %dma_start3A_345] : memref<64x16384xf32, #tpu.memory_space<hbm>> -> memref<1x4096xf32, #tpu.memory_space<hbm>>
    %dma_start3A_347 = tpu.memref_squeeze %dma_start3A_346 : memref<1x4096xf32, #tpu.memory_space<hbm>> -> memref<4096xf32, #tpu.memory_space<hbm>>
    %dma_start3A_348 = arith.constant 8192 : i32
    %dma_start3A_349 = tpu.memref_slice %arg7[%add3A_277, %dma_start3A_348] : memref<64x16384xf32, #tpu.memory_space<hbm>> -> memref<1x4096xf32, #tpu.memory_space<hbm>>
    %dma_start3A_350 = tpu.memref_squeeze %dma_start3A_349 : memref<1x4096xf32, #tpu.memory_space<hbm>> -> memref<4096xf32, #tpu.memory_space<hbm>>
    tpu.enqueue_dma source(%arg11 : memref<4096xf32, #tpu.memory_space<vmem>>) target(%dma_start3A_350 : memref<4096xf32, #tpu.memory_space<hbm>>) target_semaphore(%arg15 : memref<!tpu.dma_semaphore, #tpu.memory_space<semaphore_mem>>)
    %dma_wait3A_351 = arith.constant 12288 : i32
    %dma_wait3A_352 = tpu.memref_slice %arg3[%dma_wait3A_351] : memref<16384xi32, #tpu.memory_space<hbm>> -> memref<4096xi32, #tpu.memory_space<hbm>>
    %dma_wait3A_353 = arith.constant 12288 : i32
    %dma_wait3A_354 = tpu.memref_slice %arg3[%dma_wait3A_353] : memref<16384xi32, #tpu.memory_space<hbm>> -> memref<4096xi32, #tpu.memory_space<hbm>>
    tpu.wait_dma2 semaphore(%arg14 : memref<!tpu.dma_semaphore, #tpu.memory_space<semaphore_mem>>) src(%dma_wait3A_354 : memref<4096xi32, #tpu.memory_space<hbm>>) dst(%arg10 : memref<4096xi32, #tpu.memory_space<vmem>>)
    %dma_wait3A_355 = arith.constant 4096 : i32
    %dma_wait3A_356 = tpu.memref_slice %arg7[%add3A_277, %dma_wait3A_355] : memref<64x16384xf32, #tpu.memory_space<hbm>> -> memref<1x4096xf32, #tpu.memory_space<hbm>>
    %dma_wait3A_357 = tpu.memref_squeeze %dma_wait3A_356 : memref<1x4096xf32, #tpu.memory_space<hbm>> -> memref<4096xf32, #tpu.memory_space<hbm>>
    %dma_wait3A_358 = arith.constant 4096 : i32
    %dma_wait3A_359 = tpu.memref_slice %arg7[%add3A_277, %dma_wait3A_358] : memref<64x16384xf32, #tpu.memory_space<hbm>> -> memref<1x4096xf32, #tpu.memory_space<hbm>>
    %dma_wait3A_360 = tpu.memref_squeeze %dma_wait3A_359 : memref<1x4096xf32, #tpu.memory_space<hbm>> -> memref<4096xf32, #tpu.memory_space<hbm>>
    tpu.wait_dma2 semaphore(%arg16 : memref<!tpu.dma_semaphore, #tpu.memory_space<semaphore_mem>>) src(%arg12 : memref<4096xf32, #tpu.memory_space<vmem>>) dst(%dma_wait3A_360 : memref<4096xf32, #tpu.memory_space<hbm>>)
    %parallel_loop3A_361 = arith.constant 0 : i32
    %parallel_loop3A_362 = arith.constant 256 : i32
    %parallel_loop3A_363 = arith.constant 1 : i32
    scf.for %parallel_loop3A_382 = %parallel_loop3A_361 to %parallel_loop3A_362 step %parallel_loop3A_363  : i32 {
      %parallel_loop3A_383 = arith.constant 16 : i32
      %parallel_loop3A_384 = arith.muli %parallel_loop3A_382, %parallel_loop3A_383 : i32
      %parallel_loop3A_385 = arith.index_cast %parallel_loop3A_384 : i32 to index
      %parallel_loop3A_386 = tpu.vector_load %arg10[%parallel_loop3A_385] {strides = array<i32>} : memref<4096xi32, #tpu.memory_space<vmem>>, vector<16xi32>,
      %parallel_loop3A_387 = tpu.vector_load_idx %arg8[%parallel_loop3A_386] : memref<100000xf32, #tpu.memory_space<vmem>>[vector<16xi32>], vector<16xf32>,
      %parallel_loop3A_388 = arith.index_cast %parallel_loop3A_384 : i32 to index
      %parallel_loop3A_389 = tpu.vector_load %arg12[%parallel_loop3A_388] {strides = array<i32>} : memref<4096xf32, #tpu.memory_space<vmem>>, vector<16xf32>,
      tpu.vector_store %arg12[%parallel_loop3A_388], %parallel_loop3A_387 {strides = array<i32>} : memref<4096xf32, #tpu.memory_space<vmem>>, vector<16xf32>,
    } {sc.loop_unroll_factor = 8 : i64, sc.parallel_access}
    %dma_start3A_364 = arith.constant 12288 : i32
    %dma_start3A_365 = tpu.memref_slice %arg7[%add3A_277, %dma_start3A_364] : memref<64x16384xf32, #tpu.memory_space<hbm>> -> memref<1x4096xf32, #tpu.memory_space<hbm>>
    %dma_start3A_366 = tpu.memref_squeeze %dma_start3A_365 : memref<1x4096xf32, #tpu.memory_space<hbm>> -> memref<4096xf32, #tpu.memory_space<hbm>>
    %dma_start3A_367 = arith.constant 12288 : i32
    %dma_start3A_368 = tpu.memref_slice %arg7[%add3A_277, %dma_start3A_367] : memref<64x16384xf32, #tpu.memory_space<hbm>> -> memref<1x4096xf32, #tpu.memory_space<hbm>>
    %dma_start3A_369 = tpu.memref_squeeze %dma_start3A_368 : memref<1x4096xf32, #tpu.memory_space<hbm>> -> memref<4096xf32, #tpu.memory_space<hbm>>
    tpu.enqueue_dma source(%arg12 : memref<4096xf32, #tpu.memory_space<vmem>>) target(%dma_start3A_369 : memref<4096xf32, #tpu.memory_space<hbm>>) target_semaphore(%arg16 : memref<!tpu.dma_semaphore, #tpu.memory_space<semaphore_mem>>)
    %dma_wait3A_370 = arith.constant 8192 : i32
    %dma_wait3A_371 = tpu.memref_slice %arg7[%add3A_277, %dma_wait3A_370] : memref<64x16384xf32, #tpu.memory_space<hbm>> -> memref<1x4096xf32, #tpu.memory_space<hbm>>
    %dma_wait3A_372 = tpu.memref_squeeze %dma_wait3A_371 : memref<1x4096xf32, #tpu.memory_space<hbm>> -> memref<4096xf32, #tpu.memory_space<hbm>>
    %dma_wait3A_373 = arith.constant 8192 : i32
    %dma_wait3A_374 = tpu.memref_slice %arg7[%add3A_277, %dma_wait3A_373] : memref<64x16384xf32, #tpu.memory_space<hbm>> -> memref<1x4096xf32, #tpu.memory_space<hbm>>
    %dma_wait3A_375 = tpu.memref_squeeze %dma_wait3A_374 : memref<1x4096xf32, #tpu.memory_space<hbm>> -> memref<4096xf32, #tpu.memory_space<hbm>>
    tpu.wait_dma2 semaphore(%arg15 : memref<!tpu.dma_semaphore, #tpu.memory_space<semaphore_mem>>) src(%arg11 : memref<4096xf32, #tpu.memory_space<vmem>>) dst(%dma_wait3A_375 : memref<4096xf32, #tpu.memory_space<hbm>>)
    %dma_wait3A_376 = arith.constant 12288 : i32
    %dma_wait3A_377 = tpu.memref_slice %arg7[%add3A_277, %dma_wait3A_376] : memref<64x16384xf32, #tpu.memory_space<hbm>> -> memref<1x4096xf32, #tpu.memory_space<hbm>>
    %dma_wait3A_378 = tpu.memref_squeeze %dma_wait3A_377 : memref<1x4096xf32, #tpu.memory_space<hbm>> -> memref<4096xf32, #tpu.memory_space<hbm>>
    %dma_wait3A_379 = arith.constant 12288 : i32
    %dma_wait3A_380 = tpu.memref_slice %arg7[%add3A_277, %dma_wait3A_379] : memref<64x16384xf32, #tpu.memory_space<hbm>> -> memref<1x4096xf32, #tpu.memory_space<hbm>>
    %dma_wait3A_381 = tpu.memref_squeeze %dma_wait3A_380 : memref<1x4096xf32, #tpu.memory_space<hbm>> -> memref<4096xf32, #tpu.memory_space<hbm>>
    tpu.wait_dma2 semaphore(%arg16 : memref<!tpu.dma_semaphore, #tpu.memory_space<semaphore_mem>>) src(%arg12 : memref<4096xf32, #tpu.memory_space<vmem>>) dst(%dma_wait3A_381 : memref<4096xf32, #tpu.memory_space<hbm>>)
    return
  }
}

module attributes {stable_mosaic.version = 14 : i64} {
  func.func @_dot_body(%arg0: i32, %arg1: memref<64x2048xf32, #tpu.memory_space<vmem>>, %arg2: memref<64x2048xf32, #tpu.memory_space<vmem>>, %arg3: memref<2048xf32, #tpu.memory_space<vmem>>) attributes {dimension_semantics = [#tpu.dimension_semantics<arbitrary>], iteration_bounds = array<i64: 8>, scalar_prefetch = 0 : i64, scratch_operands = 0 : i64, tpu.core_type = #tpu.core_type<tc>, window_params = [{transform_indices = @transform_0, window_bounds = array<i64: 64, 2048>}, {transform_indices = @transform_1, window_bounds = array<i64: 64, 2048>}, {transform_indices = @transform_2, window_bounds = array<i64: 2048>}]} {
    %get3A = arith.constant 0 : index
    %get3A_0 = arith.constant 0 : index
    %get3A_1 = vector.load %arg1[%get3A, %get3A_0] : memref<64x2048xf32, #tpu.memory_space<vmem>>, vector<64x2048xf32>
    %max3A = arith.constant 0.000000e+00 : f32
    %max3A_2 = vector.broadcast %max3A : f32 to vector<64x2048xf32>
    %max3A_3 = arith.maximumf %get3A_1, %max3A_2 : vector<64x2048xf32>
    %abs3A = math.absf %get3A_1 : vector<64x2048xf32>
    %neg3A = arith.constant 0.000000e+00 : f32
    %neg3A_4 = vector.broadcast %neg3A : f32 to vector<64x2048xf32>
    %neg3A_5 = arith.subf %neg3A_4, %abs3A : vector<64x2048xf32>
    %exp3A = math.exp %neg3A_5 : vector<64x2048xf32>
    %add3A = arith.constant 1.000000e+00 : f32
    %add3A_6 = vector.broadcast %add3A : f32 to vector<64x2048xf32>
    %add3A_7 = arith.addf %add3A_6, %exp3A : vector<64x2048xf32>
    %log3A = math.log %add3A_7 : vector<64x2048xf32>
    %add3A_8 = arith.addf %max3A_3, %log3A : vector<64x2048xf32>
    %get3A_9 = arith.constant 0 : index
    %get3A_10 = arith.constant 0 : index
    %get3A_11 = vector.load %arg2[%get3A_9, %get3A_10] : memref<64x2048xf32, #tpu.memory_space<vmem>>, vector<64x2048xf32>
    %max3A_12 = arith.constant 0.000000e+00 : f32
    %max3A_13 = vector.broadcast %max3A_12 : f32 to vector<64x2048xf32>
    %max3A_14 = arith.maximumf %get3A_11, %max3A_13 : vector<64x2048xf32>
    %abs3A_15 = math.absf %get3A_11 : vector<64x2048xf32>
    %neg3A_16 = arith.constant 0.000000e+00 : f32
    %neg3A_17 = vector.broadcast %neg3A_16 : f32 to vector<64x2048xf32>
    %neg3A_18 = arith.subf %neg3A_17, %abs3A_15 : vector<64x2048xf32>
    %exp3A_19 = math.exp %neg3A_18 : vector<64x2048xf32>
    %add3A_20 = arith.constant 1.000000e+00 : f32
    %add3A_21 = vector.broadcast %add3A_20 : f32 to vector<64x2048xf32>
    %add3A_22 = arith.addf %add3A_21, %exp3A_19 : vector<64x2048xf32>
    %log3A_23 = math.log %add3A_22 : vector<64x2048xf32>
    %add3A_24 = arith.addf %max3A_14, %log3A_23 : vector<64x2048xf32>
    %mul3A = arith.mulf %add3A_8, %add3A_24 : vector<64x2048xf32>
    %reduce_sum3A = arith.constant dense<0.000000e+00> : vector<2048xf32>
    %reduce_sum3A_25 = vector.multi_reduction <add>, %mul3A, %reduce_sum3A [0] : vector<64x2048xf32> to vector<2048xf32>
    %swap3A = arith.constant 0 : index
    %swap3A_26 = vector.load %arg3[%swap3A] : memref<2048xf32, #tpu.memory_space<vmem>>, vector<2048xf32>
    tpu.vector_store %arg3[%swap3A], %reduce_sum3A_25 {strides = array<i32>} : memref<2048xf32, #tpu.memory_space<vmem>>, vector<2048xf32>,
    return
  }
  func.func @transform_0(%arg0: i32) -> (i32, i32) {
    %c0_i32 = arith.constant 0 : i32
    %c0_i32_0 = arith.constant 0 : i32
    return %c0_i32, %arg0 : i32, i32
  }
  func.func @transform_1(%arg0: i32) -> (i32, i32) {
    %c0_i32 = arith.constant 0 : i32
    %c0_i32_0 = arith.constant 0 : i32
    return %c0_i32, %arg0 : i32, i32
  }
  func.func @transform_2(%arg0: i32) -> i32 {
    %c0_i32 = arith.constant 0 : i32
    return %arg0 : i32
  }
}

</mosaic_0001>

<sc_bundles>
// kernel: kernel.4.cloned.1.call-start
scs
__scs_entry_jumppad:
0x0: {  	(pc) =	sbr.rel $0x88, $3  }
0x1: {  	(tag) =	ssettag $0x0;
	lr =	simm.s32 $0x1  }
0x2: {  	[smem:$0x3F9D] =	sst lr;
	_ =	strace $0xD0000000  }
0x3: {  	_ = 	snop  }
0x4: {  	_ = 	snop  }
0x5: {  	_ = 	snop  }
0x6: {  	_ = 	snop  }
0x7: {  	_ = 	snop  }
__scs_overlays_trampoline_lowered:
0x8: {  	[smem:$0x3FAC] =	sst s0  }
0x9: {  	[smem:$0x3FAD] =	sst s1  }
0xa: {  	[smem:$0x3FAE] =	sst s2  }
0xb: {  	[smem:$0x3FAF] =	sst s3  }
0xc: {  	[smem:$0x3FB0] =	sst s4  }
0xd: {  	[smem:$0x3FB1] =	sst s5  }
0xe: {  	[smem:$0x3FB2] =	sst s6  }
0xf: {  	[smem:$0x3FB3] =	sst s7  }
0x10: {  	[smem:$0x3FB4] =	sst s8  }
0x11: {  	[smem:$0x3FB5] =	sst s9;
	s0 =	simm.s32 @!p0 $0x0  }
0x12: {  	s1 =	sld [smem:$0x3F9B];
	s0 =	simm.s32 @p0 $0x1  }
0x13: {  	[smem:$0x3FB6] =	sst s0;
	s0 =	simm.s32 @!p1 $0x0  }
0x14: {  	s2 =	sld [smem:$0x3F9A];
	s0 =	simm.s32 @p1 $0x1  }
0x15: {  	[smem:$0x3FB7] =	sst s0;
	s0 =	simm.s32 @!p2 $0x0  }
0x16: {  	s3 =	sld [smem:$0x3FDB];
	s0 =	simm.s32 @p2 $0x1  }
0x17: {  	s4 =	simm.s32 $0x1BF5;
	[smem:$0x3FB9] =	sst s0  }
0x18: {  	s0 =	sld [smem:$0x3F9C];
	_ =	swait.ge [sflag:s4], $0x0  }
0x19: {  	s7 =	sld [smem:$0x3F9D]  }
0x1a: {  	s8 =	sadd.s32 $0xFFFFE003, lr  }
0x1b: {  	s9 =	sadd.s32 $0xFFFFFEF7, lr;
	s5 =	simm.s32 $0xFFFFFFFF;
	p2 =	slt.u32 s8, $0xFFFFF086  }
0x1c: {  	p1 =	slt.u32 s9, $0xF7A;
	s5 =	simm.s32 @!p2 $0x0  }
0x1d: {  	s5 =	simm.s32 @p1 $0x1;
	p0 =	seq.s32 s7, s2  }
0x1e: {  	s7 =	smul.u32 @!p0 $0xF7A, s2;
	p2 =	seq.s32 @!p0 s5, $0x0  }
0x1f: {  	s9 =	smul.u32 $0xF7A, s1;
	s8 =	simm.s32 @!p0 $0x1BF5;
	p2 =	por !p2, p0  }
0x20: {  	[sflag:s8] =	ssyncset.s32 @!p0 $0xFFFFF086;
	s6 =	sadd.s32 @!p0 s3, s7;
	s7 =	simm.s32 @!p0 $0x108  }
0x21: {  	s3 =	sadd.s32 s3, s9;
	s6 =	sadd.s32 @!p0 $0x88, s6;
	s7 =	simm.s32 @p2 $0x1082  }
0x22: {  	[simem:s7], [sflag:s8] =	dma.local @!p0 [hbm:s6], $0xF7A  }
0x23: {  	s9 =	sor.u32 $0xD0000000, s2;
	s6 =	simm.s32 $0x108;
	_ =	swait.ge @!p0 [sflag:s8], $0x0  }
0x24: {  	s3 =	sadd.s32 $0x88, s3;
	s6 =	simm.s32 @!p1 $0x1082;
	[sflag:s4] =	ssyncset.s32 $0xFFFFF086  }
0x25: {  	[simem:s6], [sflag:s4] =	dma.local [hbm:s3], $0xF7A  }
0x26: {  	[smem:$0x3F9D] =	sst s1;
	(tag) =	ssettag s2;
	_ =	strace s9  }
0x27: {  	s1 =	sld [smem:$0x3FAD]  }
0x28: {  	s2 =	sld [smem:$0x3FAE]  }
0x29: {  	s4 =	sld [smem:$0x3FB0]  }
0x2a: {  	p0 =	seq.s32 s5, $0x0;
	s5 =	sld [smem:$0x3FB1]  }
0x2b: {  	s6 =	sld [smem:$0x3FB2]  }
0x2c: {  	s7 =	sld [smem:$0x3FB3]  }
0x2d: {  	s3 =	simm.s32 $0x108;
	s8 =	sld [smem:$0x3FB4]  }
0x2e: {  	s3 =	simm.s32 @!p0 $0x1082;
	s9 =	sld [smem:$0x3FB5]  }
0x2f: {  	lr =	sadd.s32 s0, s3;
	s0 =	sld [smem:$0x3FAC]  }
0x30: {  	s3 =	sld [smem:$0x3FAF]  }
0x31: {  	[smem:$0x3FB8] =	sst s10  }
0x32: {  	s10 =	sld [smem:$0x3FB6];
	_ =	sdelay $0x3  }
0x33: {  	p0 =	seq.s32 s10, $0x1;
	s10 =	sld [smem:$0x3FB8];
	_ =	sdelay $0x3  }
0x34: {  	[smem:$0x3FB8] =	sst s10  }
0x35: {  	s10 =	sld [smem:$0x3FB7];
	_ =	sdelay $0x3  }
0x36: {  	p1 =	seq.s32 s10, $0x1;
	s10 =	sld [smem:$0x3FB8];
	_ =	sdelay $0x3  }
0x37: {  	[smem:$0x3FB8] =	sst s10  }
0x38: {  	s10 =	sld [smem:$0x3FB9]  }
0x39: {  	_ = 	snop;
	(pc) =	sbr.ind lr, $3  }
0x3a: {  	_ = 	snop  }
0x3b: {  	_ = 	snop  }
0x3c: {  	p2 =	seq.s32 s10, $0x1;
	s10 =	sld [smem:$0x3FB8]  }
0x3d: {  	_ =	shalt  }
0x3e: {  	_ =	shalt  }
0x3f: {  	_ =	shalt  }
0x40: {  	_ =	shalt  }
0x41: {  	_ =	shalt  }
0x42: {  	_ =	shalt  }
0x43: {  	_ =	shalt  }
0x44: {  	_ =	shalt  }
0x45: {  	_ =	shalt  }
0x46: {  	_ =	shalt  }
0x47: {  	_ =	shalt  }
0x48: {  	_ =	shalt  }
0x49: {  	_ =	shalt  }
0x4a: {  	_ =	shalt  }
0x4b: {  	_ =	shalt  }
0x4c: {  	_ =	shalt  }
0x4d: {  	_ =	shalt  }
0x4e: {  	_ =	shalt  }
0x4f: {  	_ =	shalt  }
0x50: {  	_ =	shalt  }
0x51: {  	_ =	shalt  }
0x52: {  	_ =	shalt  }
0x53: {  	_ =	shalt  }
0x54: {  	_ =	shalt  }
0x55: {  	_ =	shalt  }
0x56: {  	_ =	shalt  }
0x57: {  	_ =	shalt  }
0x58: {  	_ =	shalt  }
0x59: {  	_ =	shalt  }
0x5a: {  	_ =	shalt  }
0x5b: {  	_ =	shalt  }
0x5c: {  	_ =	shalt  }
0x5d: {  	_ =	shalt  }
0x5e: {  	_ =	shalt  }
0x5f: {  	_ =	shalt  }
0x60: {  	_ =	shalt  }
0x61: {  	_ =	shalt  }
0x62: {  	_ =	shalt  }
0x63: {  	_ =	shalt  }
0x64: {  	_ =	shalt  }
0x65: {  	_ =	shalt  }
0x66: {  	_ =	shalt  }
0x67: {  	_ =	shalt  }
0x68: {  	_ =	shalt  }
0x69: {  	_ =	shalt  }
0x6a: {  	_ =	shalt  }
0x6b: {  	_ =	shalt  }
0x6c: {  	_ =	shalt  }
0x6d: {  	_ =	shalt  }
0x6e: {  	_ =	shalt  }
0x6f: {  	_ =	shalt  }
0x70: {  	_ =	shalt  }
0x71: {  	_ =	shalt  }
0x72: {  	_ =	shalt  }
0x73: {  	_ =	shalt  }
0x74: {  	_ =	shalt  }
0x75: {  	_ =	shalt  }
0x76: {  	_ =	shalt  }
0x77: {  	_ =	shalt  }
0x78: {  	_ =	shalt  }
0x79: {  	_ =	shalt  }
0x7a: {  	_ =	shalt  }
0x7b: {  	_ =	shalt  }
0x7c: {  	_ =	shalt  }
0x7d: {  	_ =	shalt  }
0x7e: {  	_ =	shalt  }
0x7f: {  	_ =	shalt  }
0x80: {  	_ =	shalt  }
0x81: {  	_ =	shalt  }
0x82: {  	_ =	shalt  }
0x83: {  	_ =	shalt  }
0x84: {  	_ =	shalt  }
0x85: {  	_ =	shalt  }
0x86: {  	_ =	shalt  }
0x87: {  	_ =	shalt  }
.Lfunc_end0:
.L_simem_size_0:
called_computation_lowered:
.L_overlay_start_0:
0x88: {  	s2 =	sld [smem:$0x3FD9]  }
0x89: {  	s3 =	sld [smem:$0x3FFE];
	_ =	sdelay $0x1  }
0x8a: {  	s1 =	srdreg.scid  }
0x8b: {  	s0 =	sand.u32 $0x1, s1  }
0x8c: {  	s17 =	sshll.u32 s0, $0xA;
	s2 =	sadd.s32 s3, s2  }
0x8d: {  	s2 =	sadd.s32 s2, s17  }
0x8e: {  	[smem:$0x3FC4] =	sst s2  }
0x8f: {  	_ = 	snop  }
0x90: {  	s2 =	sld [smem:$0x3FC9]  }
0x91: {  	s18 =	sld [smem:$0x3FC8]  }
0x92: {  	s4 =	sld [smem:$0x3FC7]  }
0x93: {  	s5 =	sld [smem:$0x3FC6];
	(tm) =	ssettm $0x1  }
0x94: {  	s6 =	sld [smem:$0x3FFB];
	_ =	sdelay $0x3  }
0x95: {  	_ =	strace s6  }
0x96: {  	s6 =	sld [smem:$0x3FFC];
	_ =	sdelay $0x3  }
0x97: {  	_ =	strace s6  }
0x98: {  	s6 =	sld [smem:$0x3FFD];
	_ =	sdelay $0x3  }
0x99: {  	_ =	strace s6  }
0x9a: {  	_ =	strace $0x8FFFFFFF  }
0x9b: {  	s19 =	sld [smem:$0x3FDB];
	_ =	sdelay $0x1  }
0x9c: {  	s7 =	simm.s32 $_scs_section_size  }
0x9d: {  	s8 =	simm.s32 $_size__tile_overlayer_lowered;
	s9 =	simm.s32 $_tile_overlayer_lowered  }
0x9e: {  	s22 =	simm.s32 $0x1BFF;
	s21 =	sshll.u32 s9, $0x1;
	s6 =	sadd.s32 s7, s19  }
0x9f: {  	s10 =	simm.s32 $0x0;
	s20 =	sshll.u32 s8, $0x1;
	s8 =	sadd.s32 s21, s6  }
0xa0: {  	[timem:s10], [sflag:s22] =	dma.local [hbm:s8], s20  }
0xa1: {  	_ =	swait.ge [sflag:s22], s20  }
0xa2: {  	s7 =	ssub.s32 $0x0, s20;
	[sflag:s22] =	ssyncset.done $0x0  }
0xa3: {  	[sflag:s22] =	ssyncadd.s32 s7;
	_ =	sdelay $0x1  }
0xa4: {  	s23 =	simm.s32 $0x1B8B  }
0xa5: {  	_ =	swait.ge [sflag:s23], $0x1  }
0xa6: {  	[sflag:s23] =	ssyncset.done $0x0  }
0xa7: {  	s25 =	simm.s32 $0x1B8E;
	s24 =	sld [smem:$0x3FFE];
	[sflag:s23] =	ssyncadd.s32 $0xFFFFFFFF  }
0xa8: {  	s26 =	simm.s32 $execute0_lowered;
	[smem:$0x3FD2] =	sst s25  }
0xa9: {  	s8 =	sshll.u32 s26, $0x1;
	_ =	strace $0x80000046;
	[dreg:$0x1] =	wrdreg $0xFFFFFFFF  }
0xaa: {  	s28 =	simm.s32 $_size_execute0_lowered;
	s6 =	sadd.s32 s6, s8;
	[dreg:$0x0] =	wrdreg $0x0  }
0xab: {  	s8 =	sshll.u32 s28, $0x1;
	[dreg:$0x2] =	wrdreg s6  }
0xac: {  	[dreg:$0x3] =	wrdreg s8  }
0xad: {  	[dreg:$0x4] =	wrdreg $0xC0  }
0xae: {  	_ =	task [dreg:s10], $0x5FFFF  }
0xaf: {  	[dreg:$0x1] =	wrdreg $0xFFFFFFFF  }
0xb0: {  	[dreg:$0x0] =	wrdreg $0x60  }
0xb1: {  	[dreg:$0x2] =	wrdreg s2  }
0xb2: {  	[dreg:$0x3] =	wrdreg s18  }
0xb3: {  	[dreg:$0x4] =	wrdreg s4  }
0xb4: {  	[dreg:$0x5] =	wrdreg s5  }
0xb5: {  	[dreg:$0x6] =	wrdreg s24  }
0xb6: {  	[dreg:$0x7] =	wrdreg $0x9  }
0xb7: {  	_ =	task.clear_ibuf [dreg:s10], $0x8FFFF;
	_ =	strace $0x90000046  }
0xb8: {  	s29 =	simm.s32 $0x9;
	_ =	strace $0x80000048  }
0xb9: {  	_ =	swait.ge [sflag:s29], $0x1  }
0xba: {  	[sflag:s29] =	ssyncadd.s32 $0xFFFFFFFF  }
0xbb: {  	_ =	strace $0x90000048  }
0xbc: {  	_ =	sfence  }
0xbd: {  	s30 =	sld [smem:$0x0];
	_ =	sdelay $0x2  }
0xbe: {  	s31 =	sshll.u32 s1, $0xD;
	s1 =	sshrl.u32 s1, $0x2  }
0xbf: {  	s3 =	sand.u32 $0x4000, s31;
	s1 =	sadd.s32 s1, s30  }
0xc0: {  	s0 =	sor.u32 s3, s0;
	s1 =	sshll.u32 s1, $0x11  }
0xc1: {  	s0 =	sor.u32 s1, s0  }
0xc2: {  	s0 =	sadd.s32 $0x8F2B, s0  }
0xc3: {  	[sflag:s0] =	ssyncadd.remote.s32 $0x1  }
0xc4: {  	_ =	sfence.sel $0xFFFF  }
0xc5: {  	[dreg:$0x0] =	wrdreg $0xFFFFFFFF;
	(pc) =	sbr.abs _section_cstart, $3  }
0xc6: {  	[dreg:$0x1] =	wrdreg $0xFFFFFFFF  }
0xc7: {  	_ =	task.clear_ibuf [dreg:s10], $0x2FFFF;
	_ =	strace $0x9FFFFFFF  }
0xc8: {  	(tm) =	ssettm $0x7FFFFFFF  }
0xc9: {  	_ =	shalt  }
tec
execute0_lowered:
.L_overlay_start_1:
0x0: {  	(tag) =	ssettag $0x1  }
0x1: {  	s14 =	rddreg [dreg:$0x0]  }
0x2: {  	s15 =	rddreg [dreg:$0x1]  }
0x3: {  	s0 =	rddreg [dreg:$0x2]  }
0x4: {  	s1 =	rddreg [dreg:$0x3]  }
0x5: {  	s2 =	rddreg [dreg:$0x4];
	s3 =	simm.s32 $0x0;
	s4 =	srdreg.scid  }
0x6: {  	s6 =	stileid.u32;
	[smem:$0x7FF] =	sst s3  }
0x7: {  	s4 =	sand.u32 $0x1, s4;
	s5 =	sshll.u32 s6, $0x9;
	s6 =	sshrl.u32 s6, $0x1  }
0x8: {  	s9 =	sadd.s32 $0xC00, s2;
	s2 =	sadd.s32 $0x20C00, s2;
	s28 =	sadd.s32 $0x400, s14  }
0x9: {  	s29 =	sadd.s32 $0x600, s14;
	s30 =	sadd.s32 $0x200, s15;
	s31 =	sadd.s32 $0x400, s15  }
0xa: {  	s7 =	sshll.u32 s4, $0x8;
	s5 =	sand.u32 $0x200, s5;
	s8 =	smul.u32 $0xC3800, s6  }
0xb: {  	s4 =	ssub.s32 $0x2, s4;
	s6 =	sshll.u32 s6, $0x11;
	s5 =	sor.u32 s7, s5  }
0xc: {  	s10 =	sshrl.u32 s4, $0x1;
	s7 =	sor.u32 s8, s5;
	s11 =	sor.u32 s6, s5  }
0xd: {  	s4 =	ssub.s32 s4, s10;
	s5 =	sor.u32 $0x80, s5;
	s10 =	simm.s32 $0x2  }
0xe: {  	s7 =	sshrl.u32 s7, $0x3;
	s25 =	sshrl.u32 s11, $0x3;
	s8 =	sor.u32 s8, s5  }
0xf: {  	s5 =	sor.u32 s6, s5;
	s6 =	simm.s32 $0x18700;
	s24 =	sadd.s32 s0, s7  }
0x10: {  	s11 =	sadd.s32 s9, s25;
	s12 =	sor.u32 $0x2000, s25;
	s21 =	sshrl.u32 s8, $0x3  }
0x11: {  	s5 =	sshrl.u32 s5, $0x3;
	s7 =	sadd.s32 s1, s7;
	[dreg:$0x6] =	wrdreg s24  }
0x12: {  	s8 =	simm.s32 $0x19700;
	[dreg:$0x7] =	wrdreg s11;
	s11 =	sor.u32 $0x1000, s25  }
0x13: {  	s19 =	sadd.s32 s9, s12;
	s0 =	sadd.s32 s0, s21;
	s22 =	sor.u32 $0x1000, s5  }
0x14: {  	s23 =	sor.u32 $0x2000, s5;
	s16 =	sadd.s32 s9, s5;
	[dreg:$0xf] =	wrdreg s7  }
0x15: {  	s1 =	sadd.s32 s1, s21;
	s18 =	sor.u32 $0x3000, s5;
	[dreg:$0x9] =	wrdreg s19  }
0x16: {  	s21 =	sadd.s32 s2, s5;
	s5 =	simm.s32 $0x5;
	[dreg:$0xb] =	wrdreg s0  }
0x17: {  	s7 =	simm.s32 $0x1;
	s13 =	sadd.s32 s9, s11;
	[dreg:$0xc] =	wrdreg s16  }
0x18: {  	s26 =	sadd.s32 s9, s22;
	s17 =	sadd.s32 s9, s23;
	[dreg:$0x10] =	wrdreg s1  }
0x19: {  	s24 =	sadd.s32 s9, s18;
	s19 =	sadd.s32 s2, s12;
	s22 =	sadd.s32 s2, s22  }
0x1a: {  	s23 =	sadd.s32 s2, s23;
	s16 =	smov.u32 s14;
	[dreg:$0x8] =	wrdreg s13  }
0x1b: {  	s0 =	simm.s32 $0x3;
	s12 =	simm.s32 $0x4;
	[dreg:$0xd] =	wrdreg s26  }
0x1c: {  	s1 =	simm.s32 $0x0;
	s13 =	sor.u32 $0x3000, s25;
	[dreg:$0xe] =	wrdreg s17  }
0x1d: {  	[dreg:$0x11] =	wrdreg s24;
	s25 =	sadd.s32 s2, s25;
	s26 =	sadd.s32 s2, s11  }
0x1e: {  	s24 =	sadd.s32 s2, s18;
	s18 =	smov.u32 s15;
	s17 =	sadd.s32 $0x600, s15  }
0x1f: {  	s11 =	simm.s32 $0x1B700;
	s20 =	sadd.s32 s9, s13;
	[dreg:$0x12] =	wrdreg s25  }
0x20: {  	[dreg:$0x13] =	wrdreg s26;
	s25 =	smax.u32 s4, $0x1;
	s26 =	sadd.s32 $0x200, s14  }
0x21: {  	s4 =	simm.s32 $0x400;
	s9 =	simm.s32 $0x1A700;
	[dreg:$0xa] =	wrdreg s20  }
0x22: {  	s20 =	sadd.s32 s2, s13;
	s2 =	simm.s32 $0x80;
	_ =	strace $0x80000047  }
.LBB2_1:
0x23: {  	s13 =	rddreg [dreg:$0x6]  }
0x24: {  	[tilespmem:s3], [sflag:$0x5] =	stream.strided.gather [hbm4b:s13+s2], $0x18700, s4, s2, $0x38;
	[tilespmem:$0x1C700] =	vst v63  }
0x25: {  	_ =	swait.ge [sflag:s5], $0x18700  }
0x26: {  	[sflag:s5] =	ssyncset.done $0x0  }
0x27: {  	[sflag:s5] =	ssyncadd.s32 $0xFFFE7900  }
0x28: {  	[tilespmem:s6], [sflag:$0x1] =	stream.linear.gather [hbm4b:s16+s3], $0x1000, $0x38;
	[tilespmem:$0x1C700] =	vst v63  }
0x29: {  	_ =	swait.ge [sflag:s7], $0x1000  }
0x2a: {  	[sflag:s7] =	ssyncset.done $0x0  }
0x2b: {  	s15 =	simm.s32 $0x18740;
	[sflag:s7] =	ssyncadd.s32 $0xFFFFF000  }
0x2c: {  	[tilespmem:s8], [sflag:$0x2] =	stream.linear.gather [hbm4b:s26+s3], $0x1000, $0x38;
	[tilespmem:$0x1C700] =	vst v63  }
0x2d: {  	v0 =	vld [tilespmem:s15+$0x30]  }
0x2e: {  	v1 =	vld [tilespmem:s15+$0xFFFFFFD0]  }
0x2f: {  	v2 =	vld [tilespmem:s15+$0xFFFFFFE0]  }
0x30: {  	v3 =	vld [tilespmem:s15+$0xFFFFFFF0]  }
0x31: {  	v4 =	vld [tilespmem:s15+$0x0]  }
0x32: {  	v6 =	vld [tilespmem:s15+$0x10]  }
0x33: {  	v7 =	vld [tilespmem:s15+$0x20]  }
0x34: {  	v8 =	vld [tilespmem:s15+$0xFFFFFFC0]  }
0x35: {  	v9 =	vld.idx.msk [tilespmem:v0+s3+$0x0], $0xffff  }
0x36: {  	v10 =	vld.idx.msk [tilespmem:v1+s3+$0x0], $0xffff  }
0x37: {  	v5 =	vld.idx.msk [tilespmem:v2+s3+$0x0], $0xffff  }
0x38: {  	v3 =	vld.idx.msk [tilespmem:v3+s3+$0x0], $0xffff  }
0x39: {  	v0 =	vld.idx.msk [tilespmem:v4+s3+$0x0], $0xffff  }
0x3a: {  	s13 =	simm.s32 $0x1A740;
	v1 =	vld.idx.msk [tilespmem:v6+s3+$0x0], $0xffff  }
0x3b: {  	v2 =	vld.idx.msk [tilespmem:v7+s3+$0x0], $0xffff;
	[tilespmem:s13+$0x30] =	vst v9  }
0x3c: {  	s14 =	simm.s32 $0x0;
	s15 =	simm.s32 $0x187C0;
	v4 =	vld.idx.msk [tilespmem:v8+s3+$0x0], $0xffff;
	[tilespmem:s13+$0xFFFFFFD0] =	vst v10  }
.LBB2_2:
0x3d: {  	v6 =	vld [tilespmem:s15+$0x30];
	s14 =	sadd.s32 $0x8, s14;
	[tilespmem:s13+$0xFFFFFFE0] =	vst v5  }
0x3e: {  	v5 =	vld [tilespmem:s15+$0xFFFFFFD0];
	p0 =	slt.u32 s14, $0xF8;
	[tilespmem:s13+$0xFFFFFFF0] =	vst v3  }
0x3f: {  	v3 =	vld [tilespmem:s15+$0xFFFFFFE0];
	[tilespmem:s13+$0x0] =	vst v0  }
0x40: {  	v0 =	vld [tilespmem:s15+$0xFFFFFFF0];
	[tilespmem:s13+$0x10] =	vst v1  }
0x41: {  	v1 =	vld [tilespmem:s15+$0x0];
	[tilespmem:s13+$0x20] =	vst v2  }
0x42: {  	v2 =	vld [tilespmem:s15+$0x10];
	[tilespmem:s13+$0xFFFFFFC0] =	vst v4  }
0x43: {  	v4 =	vld [tilespmem:s15+$0x20]  }
0x44: {  	v7 =	vld [tilespmem:s15+$0xFFFFFFC0]  }
0x45: {  	v6 =	vld.idx.msk [tilespmem:v6+s3+$0x0], $0xffff  }
0x46: {  	v8 =	vld.idx.msk [tilespmem:v5+s3+$0x0], $0xffff  }
0x47: {  	v5 =	vld.idx.msk [tilespmem:v3+s3+$0x0], $0xffff  }
.Ltmp0:
0x48: {  	v3 =	vld.idx.msk [tilespmem:v0+s3+$0x0], $0xffff;
	(pc) =	sbr.rel @p0 .LBB2_2-.Ltmp0, $4  }
0x49: {  	v0 =	vld.idx.msk [tilespmem:v1+s3+$0x0], $0xffff  }
0x4a: {  	s13 =	sadd.s32 $0x80, s13;
	v1 =	vld.idx.msk [tilespmem:v2+s3+$0x0], $0xffff  }
0x4b: {  	v2 =	vld.idx.msk [tilespmem:v4+s3+$0x0], $0xffff;
	[tilespmem:s13+$0x30] =	vst v6  }
0x4c: {  	s15 =	sadd.s32 $0x80, s15;
	v4 =	vld.idx.msk [tilespmem:v7+s3+$0x0], $0xffff;
	[tilespmem:s13+$0xFFFFFFD0] =	vst v8  }
0x4d: {  	[tilespmem:s13+$0xFFFFFFE0] =	vst v5  }
0x4e: {  	[tilespmem:s13+$0xFFFFFFF0] =	vst v3  }
0x4f: {  	[tilespmem:s13+$0x0] =	vst v0  }
0x50: {  	[tilespmem:s13+$0x10] =	vst v1  }
0x51: {  	[tilespmem:s13+$0x20] =	vst v2  }
0x52: {  	[tilespmem:s13+$0xFFFFFFC0] =	vst v4  }
0x53: {  	s13 =	rddreg [dreg:$0x7]  }
0x54: {  	[hbm4b:s13+s2] =	stream.strided.scatter [tilespmem:s9], [sflag:$0x3], $0x1000, s4, s2, $0x38;
	[tilespmem:$0x1C700] =	vst v63  }
0x55: {  	_ =	swait.ge [sflag:s10], $0x1000  }
0x56: {  	[sflag:s10] =	ssyncset.done $0x0  }
0x57: {  	s15 =	simm.s32 $0x19740;
	[sflag:s10] =	ssyncadd.s32 $0xFFFFF000  }
0x58: {  	[tilespmem:s6], [sflag:$0x1] =	stream.linear.gather [hbm4b:s28+s3], $0x1000, $0x38;
	[tilespmem:$0x1C700] =	vst v63  }
0x59: {  	v0 =	vld [tilespmem:s15+$0x30]  }
0x5a: {  	v1 =	vld [tilespmem:s15+$0xFFFFFFD0]  }
0x5b: {  	v2 =	vld [tilespmem:s15+$0xFFFFFFE0]  }
0x5c: {  	v3 =	vld [tilespmem:s15+$0xFFFFFFF0]  }
0x5d: {  	v4 =	vld [tilespmem:s15+$0x0]  }
0x5e: {  	v6 =	vld [tilespmem:s15+$0x10]  }
0x5f: {  	v7 =	vld [tilespmem:s15+$0x20]  }
0x60: {  	v8 =	vld [tilespmem:s15+$0xFFFFFFC0]  }
0x61: {  	v9 =	vld.idx.msk [tilespmem:v0+s3+$0x0], $0xffff  }
0x62: {  	v10 =	vld.idx.msk [tilespmem:v1+s3+$0x0], $0xffff  }
0x63: {  	v5 =	vld.idx.msk [tilespmem:v2+s3+$0x0], $0xffff  }
0x64: {  	v3 =	vld.idx.msk [tilespmem:v3+s3+$0x0], $0xffff  }
0x65: {  	v0 =	vld.idx.msk [tilespmem:v4+s3+$0x0], $0xffff  }
0x66: {  	s13 =	simm.s32 $0x1B740;
	v1 =	vld.idx.msk [tilespmem:v6+s3+$0x0], $0xffff  }
0x67: {  	v2 =	vld.idx.msk [tilespmem:v7+s3+$0x0], $0xffff;
	[tilespmem:s13+$0x30] =	vst v9  }
0x68: {  	s14 =	simm.s32 $0x0;
	s15 =	simm.s32 $0x197C0;
	v4 =	vld.idx.msk [tilespmem:v8+s3+$0x0], $0xffff;
	[tilespmem:s13+$0xFFFFFFD0] =	vst v10  }
.LBB2_4:
0x69: {  	v6 =	vld [tilespmem:s15+$0x30];
	s14 =	sadd.s32 $0x8, s14;
	[tilespmem:s13+$0xFFFFFFE0] =	vst v5  }
0x6a: {  	v5 =	vld [tilespmem:s15+$0xFFFFFFD0];
	p0 =	slt.u32 s14, $0xF8;
	[tilespmem:s13+$0xFFFFFFF0] =	vst v3  }
0x6b: {  	v3 =	vld [tilespmem:s15+$0xFFFFFFE0];
	[tilespmem:s13+$0x0] =	vst v0  }
0x6c: {  	v0 =	vld [tilespmem:s15+$0xFFFFFFF0];
	[tilespmem:s13+$0x10] =	vst v1  }
0x6d: {  	v1 =	vld [tilespmem:s15+$0x0];
	[tilespmem:s13+$0x20] =	vst v2  }
0x6e: {  	v2 =	vld [tilespmem:s15+$0x10];
	[tilespmem:s13+$0xFFFFFFC0] =	vst v4  }
0x6f: {  	v4 =	vld [tilespmem:s15+$0x20]  }
0x70: {  	v7 =	vld [tilespmem:s15+$0xFFFFFFC0]  }
0x71: {  	v6 =	vld.idx.msk [tilespmem:v6+s3+$0x0], $0xffff  }
0x72: {  	v8 =	vld.idx.msk [tilespmem:v5+s3+$0x0], $0xffff  }
0x73: {  	v5 =	vld.idx.msk [tilespmem:v3+s3+$0x0], $0xffff  }
.Ltmp1:
0x74: {  	v3 =	vld.idx.msk [tilespmem:v0+s3+$0x0], $0xffff;
	(pc) =	sbr.rel @p0 .LBB2_4-.Ltmp1, $4  }
0x75: {  	v0 =	vld.idx.msk [tilespmem:v1+s3+$0x0], $0xffff  }
0x76: {  	s13 =	sadd.s32 $0x80, s13;
	v1 =	vld.idx.msk [tilespmem:v2+s3+$0x0], $0xffff  }
0x77: {  	v2 =	vld.idx.msk [tilespmem:v4+s3+$0x0], $0xffff;
	[tilespmem:s13+$0x30] =	vst v6  }
0x78: {  	s15 =	sadd.s32 $0x80, s15;
	v4 =	vld.idx.msk [tilespmem:v7+s3+$0x0], $0xffff;
	[tilespmem:s13+$0xFFFFFFD0] =	vst v8  }
0x79: {  	[tilespmem:s13+$0xFFFFFFE0] =	vst v5  }
0x7a: {  	[tilespmem:s13+$0xFFFFFFF0] =	vst v3  }
0x7b: {  	[tilespmem:s13+$0x0] =	vst v0  }
0x7c: {  	[tilespmem:s13+$0x10] =	vst v1  }
0x7d: {  	[tilespmem:s13+$0x20] =	vst v2  }
0x7e: {  	[tilespmem:s13+$0xFFFFFFC0] =	vst v4  }
0x7f: {  	s13 =	rddreg [dreg:$0x8]  }
0x80: {  	[hbm4b:s13+s2] =	stream.strided.scatter [tilespmem:s11], [sflag:$0x4], $0x1000, s4, s2, $0x38;
	[tilespmem:$0x1C700] =	vst v63  }
0x81: {  	_ =	swait.ge [sflag:s7], $0x1000  }
0x82: {  	[sflag:s7] =	ssyncset.done $0x0  }
0x83: {  	[sflag:s7] =	ssyncadd.s32 $0xFFFFF000  }
0x84: {  	[tilespmem:s8], [sflag:$0x2] =	stream.linear.gather [hbm4b:s29+s3], $0x1000, $0x38;
	[tilespmem:$0x1C700] =	vst v63  }
0x85: {  	_ =	swait.ge [sflag:s0], $0x1000  }
0x86: {  	[sflag:s0] =	ssyncset.done $0x0  }
0x87: {  	s15 =	simm.s32 $0x18740;
	[sflag:s0] =	ssyncadd.s32 $0xFFFFF000  }
0x88: {  	v0 =	vld [tilespmem:s15+$0x30]  }
0x89: {  	v1 =	vld [tilespmem:s15+$0xFFFFFFD0]  }
0x8a: {  	v2 =	vld [tilespmem:s15+$0xFFFFFFE0]  }
0x8b: {  	v3 =	vld [tilespmem:s15+$0xFFFFFFF0]  }
0x8c: {  	v4 =	vld [tilespmem:s15+$0x0]  }
0x8d: {  	v6 =	vld [tilespmem:s15+$0x10]  }
0x8e: {  	v7 =	vld [tilespmem:s15+$0x20]  }
0x8f: {  	v8 =	vld [tilespmem:s15+$0xFFFFFFC0]  }
0x90: {  	v9 =	vld.idx.msk [tilespmem:v0+s3+$0x0], $0xffff  }
0x91: {  	v10 =	vld.idx.msk [tilespmem:v1+s3+$0x0], $0xffff  }
0x92: {  	v5 =	vld.idx.msk [tilespmem:v2+s3+$0x0], $0xffff  }
0x93: {  	v3 =	vld.idx.msk [tilespmem:v3+s3+$0x0], $0xffff  }
0x94: {  	v0 =	vld.idx.msk [tilespmem:v4+s3+$0x0], $0xffff  }
0x95: {  	s13 =	simm.s32 $0x1A740;
	v1 =	vld.idx.msk [tilespmem:v6+s3+$0x0], $0xffff  }
0x96: {  	v2 =	vld.idx.msk [tilespmem:v7+s3+$0x0], $0xffff;
	[tilespmem:s13+$0x30] =	vst v9  }
0x97: {  	s14 =	simm.s32 $0x0;
	s15 =	simm.s32 $0x187C0;
	v4 =	vld.idx.msk [tilespmem:v8+s3+$0x0], $0xffff;
	[tilespmem:s13+$0xFFFFFFD0] =	vst v10  }
.LBB2_6:
0x98: {  	v6 =	vld [tilespmem:s15+$0x30];
	s14 =	sadd.s32 $0x8, s14;
	[tilespmem:s13+$0xFFFFFFE0] =	vst v5  }
0x99: {  	v5 =	vld [tilespmem:s15+$0xFFFFFFD0];
	p0 =	slt.u32 s14, $0xF8;
	[tilespmem:s13+$0xFFFFFFF0] =	vst v3  }
0x9a: {  	v3 =	vld [tilespmem:s15+$0xFFFFFFE0];
	[tilespmem:s13+$0x0] =	vst v0  }
0x9b: {  	v0 =	vld [tilespmem:s15+$0xFFFFFFF0];
	[tilespmem:s13+$0x10] =	vst v1  }
0x9c: {  	v1 =	vld [tilespmem:s15+$0x0];
	[tilespmem:s13+$0x20] =	vst v2  }
0x9d: {  	v2 =	vld [tilespmem:s15+$0x10];
	[tilespmem:s13+$0xFFFFFFC0] =	vst v4  }
0x9e: {  	v4 =	vld [tilespmem:s15+$0x20]  }
0x9f: {  	v7 =	vld [tilespmem:s15+$0xFFFFFFC0]  }
0xa0: {  	v6 =	vld.idx.msk [tilespmem:v6+s3+$0x0], $0xffff  }
0xa1: {  	v8 =	vld.idx.msk [tilespmem:v5+s3+$0x0], $0xffff  }
0xa2: {  	v5 =	vld.idx.msk [tilespmem:v3+s3+$0x0], $0xffff  }
.Ltmp2:
0xa3: {  	v3 =	vld.idx.msk [tilespmem:v0+s3+$0x0], $0xffff;
	(pc) =	sbr.rel @p0 .LBB2_6-.Ltmp2, $4  }
0xa4: {  	v0 =	vld.idx.msk [tilespmem:v1+s3+$0x0], $0xffff  }
0xa5: {  	s13 =	sadd.s32 $0x80, s13;
	v1 =	vld.idx.msk [tilespmem:v2+s3+$0x0], $0xffff  }
0xa6: {  	v2 =	vld.idx.msk [tilespmem:v4+s3+$0x0], $0xffff;
	[tilespmem:s13+$0x30] =	vst v6  }
0xa7: {  	s15 =	sadd.s32 $0x80, s15;
	v4 =	vld.idx.msk [tilespmem:v7+s3+$0x0], $0xffff;
	[tilespmem:s13+$0xFFFFFFD0] =	vst v8  }
0xa8: {  	[tilespmem:s13+$0xFFFFFFE0] =	vst v5  }
0xa9: {  	[tilespmem:s13+$0xFFFFFFF0] =	vst v3  }
0xaa: {  	[tilespmem:s13+$0x0] =	vst v0  }
0xab: {  	[tilespmem:s13+$0x10] =	vst v1  }
0xac: {  	[tilespmem:s13+$0x20] =	vst v2  }
0xad: {  	[tilespmem:s13+$0xFFFFFFC0] =	vst v4  }
0xae: {  	s13 =	rddreg [dreg:$0x9]  }
0xaf: {  	[hbm4b:s13+s2] =	stream.strided.scatter [tilespmem:s9], [sflag:$0x3], $0x1000, s4, s2, $0x38;
	[tilespmem:$0x1C700] =	vst v63  }
0xb0: {  	_ =	swait.ge [sflag:s10], $0x1000  }
0xb1: {  	[sflag:s10] =	ssyncset.done $0x0  }
0xb2: {  	[sflag:s10] =	ssyncadd.s32 $0xFFFFF000  }
0xb3: {  	_ =	swait.ge [sflag:s12], $0x1000  }
0xb4: {  	[sflag:s12] =	ssyncset.done $0x0  }
0xb5: {  	s15 =	simm.s32 $0x19740;
	[sflag:s12] =	ssyncadd.s32 $0xFFFFF000  }
0xb6: {  	v0 =	vld [tilespmem:s15+$0x30]  }
0xb7: {  	v1 =	vld [tilespmem:s15+$0xFFFFFFD0]  }
0xb8: {  	v2 =	vld [tilespmem:s15+$0xFFFFFFE0]  }
0xb9: {  	v3 =	vld [tilespmem:s15+$0xFFFFFFF0]  }
0xba: {  	v4 =	vld [tilespmem:s15+$0x0]  }
0xbb: {  	v6 =	vld [tilespmem:s15+$0x10]  }
0xbc: {  	v7 =	vld [tilespmem:s15+$0x20]  }
0xbd: {  	v8 =	vld [tilespmem:s15+$0xFFFFFFC0]  }
0xbe: {  	v9 =	vld.idx.msk [tilespmem:v0+s3+$0x0], $0xffff  }
0xbf: {  	v10 =	vld.idx.msk [tilespmem:v1+s3+$0x0], $0xffff  }
0xc0: {  	v5 =	vld.idx.msk [tilespmem:v2+s3+$0x0], $0xffff  }
0xc1: {  	v3 =	vld.idx.msk [tilespmem:v3+s3+$0x0], $0xffff  }
0xc2: {  	v0 =	vld.idx.msk [tilespmem:v4+s3+$0x0], $0xffff  }
0xc3: {  	s13 =	simm.s32 $0x1B740;
	v1 =	vld.idx.msk [tilespmem:v6+s3+$0x0], $0xffff  }
0xc4: {  	v2 =	vld.idx.msk [tilespmem:v7+s3+$0x0], $0xffff;
	[tilespmem:s13+$0x30] =	vst v9  }
0xc5: {  	s14 =	simm.s32 $0x0;
	s15 =	simm.s32 $0x197C0;
	v4 =	vld.idx.msk [tilespmem:v8+s3+$0x0], $0xffff;
	[tilespmem:s13+$0xFFFFFFD0] =	vst v10  }
.LBB2_8:
0xc6: {  	v6 =	vld [tilespmem:s15+$0x30];
	s14 =	sadd.s32 $0x8, s14;
	[tilespmem:s13+$0xFFFFFFE0] =	vst v5  }
0xc7: {  	v5 =	vld [tilespmem:s15+$0xFFFFFFD0];
	p0 =	slt.u32 s14, $0xF8;
	[tilespmem:s13+$0xFFFFFFF0] =	vst v3  }
0xc8: {  	v3 =	vld [tilespmem:s15+$0xFFFFFFE0];
	[tilespmem:s13+$0x0] =	vst v0  }
0xc9: {  	v0 =	vld [tilespmem:s15+$0xFFFFFFF0];
	[tilespmem:s13+$0x10] =	vst v1  }
0xca: {  	v1 =	vld [tilespmem:s15+$0x0];
	[tilespmem:s13+$0x20] =	vst v2  }
0xcb: {  	v2 =	vld [tilespmem:s15+$0x10];
	[tilespmem:s13+$0xFFFFFFC0] =	vst v4  }
0xcc: {  	v4 =	vld [tilespmem:s15+$0x20]  }
0xcd: {  	v7 =	vld [tilespmem:s15+$0xFFFFFFC0]  }
0xce: {  	v6 =	vld.idx.msk [tilespmem:v6+s3+$0x0], $0xffff  }
0xcf: {  	v8 =	vld.idx.msk [tilespmem:v5+s3+$0x0], $0xffff  }
0xd0: {  	v5 =	vld.idx.msk [tilespmem:v3+s3+$0x0], $0xffff  }
.Ltmp3:
0xd1: {  	v3 =	vld.idx.msk [tilespmem:v0+s3+$0x0], $0xffff;
	(pc) =	sbr.rel @p0 .LBB2_8-.Ltmp3, $4  }
0xd2: {  	v0 =	vld.idx.msk [tilespmem:v1+s3+$0x0], $0xffff  }
0xd3: {  	s13 =	sadd.s32 $0x80, s13;
	v1 =	vld.idx.msk [tilespmem:v2+s3+$0x0], $0xffff  }
0xd4: {  	v2 =	vld.idx.msk [tilespmem:v4+s3+$0x0], $0xffff;
	[tilespmem:s13+$0x30] =	vst v6  }
0xd5: {  	s15 =	sadd.s32 $0x80, s15;
	v4 =	vld.idx.msk [tilespmem:v7+s3+$0x0], $0xffff;
	[tilespmem:s13+$0xFFFFFFD0] =	vst v8  }
0xd6: {  	[tilespmem:s13+$0xFFFFFFE0] =	vst v5  }
0xd7: {  	[tilespmem:s13+$0xFFFFFFF0] =	vst v3  }
0xd8: {  	[tilespmem:s13+$0x0] =	vst v0  }
0xd9: {  	[tilespmem:s13+$0x10] =	vst v1  }
0xda: {  	[tilespmem:s13+$0x20] =	vst v2  }
0xdb: {  	[tilespmem:s13+$0xFFFFFFC0] =	vst v4  }
0xdc: {  	s13 =	rddreg [dreg:$0xa]  }
0xdd: {  	[hbm4b:s13+s2] =	stream.strided.scatter [tilespmem:s11], [sflag:$0x4], $0x1000, s4, s2, $0x38;
	[tilespmem:$0x1C700] =	vst v63  }
0xde: {  	s14 =	rddreg [dreg:$0xb]  }
0xdf: {  	[tilespmem:s3], [sflag:$0x5] =	stream.strided.gather [hbm4b:s14+s2], $0x18700, s4, s2, $0x38;
	[tilespmem:$0x1C700] =	vst v63  }
0xe0: {  	_ =	swait.ge [sflag:s5], $0x18700  }
0xe1: {  	[sflag:s5] =	ssyncset.done $0x0  }
0xe2: {  	[sflag:s5] =	ssyncadd.s32 $0xFFFE7900  }
0xe3: {  	[tilespmem:s6], [sflag:$0x1] =	stream.linear.gather [hbm4b:s16+s3], $0x1000, $0x38;
	[tilespmem:$0x1C700] =	vst v63  }
0xe4: {  	_ =	swait.ge [sflag:s7], $0x1000  }
0xe5: {  	[sflag:s7] =	ssyncset.done $0x0  }
0xe6: {  	[sflag:s7] =	ssyncadd.s32 $0xFFFFF000  }
0xe7: {  	[tilespmem:s8], [sflag:$0x2] =	stream.linear.gather [hbm4b:s26+s3], $0x1000, $0x38;
	[tilespmem:$0x1C700] =	vst v63  }
0xe8: {  	_ =	swait.ge [sflag:s0], $0x1000  }
0xe9: {  	[sflag:s0] =	ssyncset.done $0x0  }
0xea: {  	s15 =	simm.s32 $0x18740;
	[sflag:s0] =	ssyncadd.s32 $0xFFFFF000  }
0xeb: {  	v0 =	vld [tilespmem:s15+$0x30]  }
0xec: {  	v1 =	vld [tilespmem:s15+$0xFFFFFFD0]  }
0xed: {  	v2 =	vld [tilespmem:s15+$0xFFFFFFE0]  }
0xee: {  	v3 =	vld [tilespmem:s15+$0xFFFFFFF0]  }
0xef: {  	v4 =	vld [tilespmem:s15+$0x0]  }
0xf0: {  	v6 =	vld [tilespmem:s15+$0x10]  }
0xf1: {  	v7 =	vld [tilespmem:s15+$0x20]  }
0xf2: {  	v8 =	vld [tilespmem:s15+$0xFFFFFFC0]  }
0xf3: {  	v9 =	vld.idx.msk [tilespmem:v0+s3+$0x0], $0xffff  }
0xf4: {  	v10 =	vld.idx.msk [tilespmem:v1+s3+$0x0], $0xffff  }
0xf5: {  	v5 =	vld.idx.msk [tilespmem:v2+s3+$0x0], $0xffff  }
0xf6: {  	v3 =	vld.idx.msk [tilespmem:v3+s3+$0x0], $0xffff  }
0xf7: {  	v0 =	vld.idx.msk [tilespmem:v4+s3+$0x0], $0xffff  }
0xf8: {  	s13 =	simm.s32 $0x1A740;
	v1 =	vld.idx.msk [tilespmem:v6+s3+$0x0], $0xffff  }
0xf9: {  	v2 =	vld.idx.msk [tilespmem:v7+s3+$0x0], $0xffff;
	[tilespmem:s13+$0x30] =	vst v9  }
0xfa: {  	s14 =	simm.s32 $0x0;
	s15 =	simm.s32 $0x187C0;
	v4 =	vld.idx.msk [tilespmem:v8+s3+$0x0], $0xffff;
	[tilespmem:s13+$0xFFFFFFD0] =	vst v10  }
.LBB2_10:
0xfb: {  	v6 =	vld [tilespmem:s15+$0x30];
	s14 =	sadd.s32 $0x8, s14;
	[tilespmem:s13+$0xFFFFFFE0] =	vst v5  }
0xfc: {  	v5 =	vld [tilespmem:s15+$0xFFFFFFD0];
	p0 =	slt.u32 s14, $0xF8;
	[tilespmem:s13+$0xFFFFFFF0] =	vst v3  }
0xfd: {  	v3 =	vld [tilespmem:s15+$0xFFFFFFE0];
	[tilespmem:s13+$0x0] =	vst v0  }
0xfe: {  	v0 =	vld [tilespmem:s15+$0xFFFFFFF0];
	[tilespmem:s13+$0x10] =	vst v1  }
0xff: {  	v1 =	vld [tilespmem:s15+$0x0];
	[tilespmem:s13+$0x20] =	vst v2  }
0x100: {  	v2 =	vld [tilespmem:s15+$0x10];
	[tilespmem:s13+$0xFFFFFFC0] =	vst v4  }
0x101: {  	v4 =	vld [tilespmem:s15+$0x20]  }
0x102: {  	v7 =	vld [tilespmem:s15+$0xFFFFFFC0]  }
0x103: {  	v6 =	vld.idx.msk [tilespmem:v6+s3+$0x0], $0xffff  }
0x104: {  	v8 =	vld.idx.msk [tilespmem:v5+s3+$0x0], $0xffff  }
0x105: {  	v5 =	vld.idx.msk [tilespmem:v3+s3+$0x0], $0xffff  }
.Ltmp4:
0x106: {  	v3 =	vld.idx.msk [tilespmem:v0+s3+$0x0], $0xffff;
	(pc) =	sbr.rel @p0 .LBB2_10-.Ltmp4, $4  }
0x107: {  	v0 =	vld.idx.msk [tilespmem:v1+s3+$0x0], $0xffff  }
0x108: {  	s13 =	sadd.s32 $0x80, s13;
	v1 =	vld.idx.msk [tilespmem:v2+s3+$0x0], $0xffff  }
0x109: {  	v2 =	vld.idx.msk [tilespmem:v4+s3+$0x0], $0xffff;
	[tilespmem:s13+$0x30] =	vst v6  }
0x10a: {  	s15 =	sadd.s32 $0x80, s15;
	v4 =	vld.idx.msk [tilespmem:v7+s3+$0x0], $0xffff;
	[tilespmem:s13+$0xFFFFFFD0] =	vst v8  }
0x10b: {  	[tilespmem:s13+$0xFFFFFFE0] =	vst v5  }
0x10c: {  	[tilespmem:s13+$0xFFFFFFF0] =	vst v3  }
0x10d: {  	[tilespmem:s13+$0x0] =	vst v0  }
0x10e: {  	[tilespmem:s13+$0x10] =	vst v1  }
0x10f: {  	[tilespmem:s13+$0x20] =	vst v2  }
0x110: {  	[tilespmem:s13+$0xFFFFFFC0] =	vst v4  }
0x111: {  	s13 =	rddreg [dreg:$0xc]  }
0x112: {  	[hbm4b:s13+s2] =	stream.strided.scatter [tilespmem:s9], [sflag:$0x3], $0x1000, s4, s2, $0x38;
	[tilespmem:$0x1C700] =	vst v63  }
0x113: {  	_ =	swait.ge [sflag:s10], $0x1000  }
0x114: {  	[sflag:s10] =	ssyncset.done $0x0  }
0x115: {  	[sflag:s10] =	ssyncadd.s32 $0xFFFFF000  }
0x116: {  	[tilespmem:s6], [sflag:$0x1] =	stream.linear.gather [hbm4b:s28+s3], $0x1000, $0x38;
	[tilespmem:$0x1C700] =	vst v63  }
0x117: {  	_ =	swait.ge [sflag:s12], $0x1000  }
0x118: {  	[sflag:s12] =	ssyncset.done $0x0  }
0x119: {  	s15 =	simm.s32 $0x19740;
	[sflag:s12] =	ssyncadd.s32 $0xFFFFF000  }
0x11a: {  	v0 =	vld [tilespmem:s15+$0x30]  }
0x11b: {  	v1 =	vld [tilespmem:s15+$0xFFFFFFD0]  }
0x11c: {  	v2 =	vld [tilespmem:s15+$0xFFFFFFE0]  }
0x11d: {  	v3 =	vld [tilespmem:s15+$0xFFFFFFF0]  }
0x11e: {  	v4 =	vld [tilespmem:s15+$0x0]  }
0x11f: {  	v6 =	vld [tilespmem:s15+$0x10]  }
0x120: {  	v7 =	vld [tilespmem:s15+$0x20]  }
0x121: {  	v8 =	vld [tilespmem:s15+$0xFFFFFFC0]  }
0x122: {  	v9 =	vld.idx.msk [tilespmem:v0+s3+$0x0], $0xffff  }
0x123: {  	v10 =	vld.idx.msk [tilespmem:v1+s3+$0x0], $0xffff  }
0x124: {  	v5 =	vld.idx.msk [tilespmem:v2+s3+$0x0], $0xffff  }
0x125: {  	v3 =	vld.idx.msk [tilespmem:v3+s3+$0x0], $0xffff  }
0x126: {  	v0 =	vld.idx.msk [tilespmem:v4+s3+$0x0], $0xffff  }
0x127: {  	s13 =	simm.s32 $0x1B740;
	v1 =	vld.idx.msk [tilespmem:v6+s3+$0x0], $0xffff  }
0x128: {  	v2 =	vld.idx.msk [tilespmem:v7+s3+$0x0], $0xffff;
	[tilespmem:s13+$0x30] =	vst v9  }
0x129: {  	s14 =	simm.s32 $0x0;
	s15 =	simm.s32 $0x197C0;
	v4 =	vld.idx.msk [tilespmem:v8+s3+$0x0], $0xffff;
	[tilespmem:s13+$0xFFFFFFD0] =	vst v10  }
.LBB2_12:
0x12a: {  	v6 =	vld [tilespmem:s15+$0x30];
	s14 =	sadd.s32 $0x8, s14;
	[tilespmem:s13+$0xFFFFFFE0] =	vst v5  }
0x12b: {  	v5 =	vld [tilespmem:s15+$0xFFFFFFD0];
	p0 =	slt.u32 s14, $0xF8;
	[tilespmem:s13+$0xFFFFFFF0] =	vst v3  }
0x12c: {  	v3 =	vld [tilespmem:s15+$0xFFFFFFE0];
	[tilespmem:s13+$0x0] =	vst v0  }
0x12d: {  	v0 =	vld [tilespmem:s15+$0xFFFFFFF0];
	[tilespmem:s13+$0x10] =	vst v1  }
0x12e: {  	v1 =	vld [tilespmem:s15+$0x0];
	[tilespmem:s13+$0x20] =	vst v2  }
0x12f: {  	v2 =	vld [tilespmem:s15+$0x10];
	[tilespmem:s13+$0xFFFFFFC0] =	vst v4  }
0x130: {  	v4 =	vld [tilespmem:s15+$0x20]  }
0x131: {  	v7 =	vld [tilespmem:s15+$0xFFFFFFC0]  }
0x132: {  	v6 =	vld.idx.msk [tilespmem:v6+s3+$0x0], $0xffff  }
0x133: {  	v8 =	vld.idx.msk [tilespmem:v5+s3+$0x0], $0xffff  }
0x134: {  	v5 =	vld.idx.msk [tilespmem:v3+s3+$0x0], $0xffff  }
.Ltmp5:
0x135: {  	v3 =	vld.idx.msk [tilespmem:v0+s3+$0x0], $0xffff;
	(pc) =	sbr.rel @p0 .LBB2_12-.Ltmp5, $4  }
0x136: {  	v0 =	vld.idx.msk [tilespmem:v1+s3+$0x0], $0xffff  }
0x137: {  	s13 =	sadd.s32 $0x80, s13;
	v1 =	vld.idx.msk [tilespmem:v2+s3+$0x0], $0xffff  }
0x138: {  	v2 =	vld.idx.msk [tilespmem:v4+s3+$0x0], $0xffff;
	[tilespmem:s13+$0x30] =	vst v6  }
0x139: {  	s15 =	sadd.s32 $0x80, s15;
	v4 =	vld.idx.msk [tilespmem:v7+s3+$0x0], $0xffff;
	[tilespmem:s13+$0xFFFFFFD0] =	vst v8  }
0x13a: {  	[tilespmem:s13+$0xFFFFFFE0] =	vst v5  }
0x13b: {  	[tilespmem:s13+$0xFFFFFFF0] =	vst v3  }
0x13c: {  	[tilespmem:s13+$0x0] =	vst v0  }
0x13d: {  	[tilespmem:s13+$0x10] =	vst v1  }
0x13e: {  	[tilespmem:s13+$0x20] =	vst v2  }
0x13f: {  	[tilespmem:s13+$0xFFFFFFC0] =	vst v4  }
0x140: {  	s13 =	rddreg [dreg:$0xd]  }
0x141: {  	[hbm4b:s13+s2] =	stream.strided.scatter [tilespmem:s11], [sflag:$0x4], $0x1000, s4, s2, $0x38;
	[tilespmem:$0x1C700] =	vst v63  }
0x142: {  	_ =	swait.ge [sflag:s7], $0x1000  }
0x143: {  	[sflag:s7] =	ssyncset.done $0x0  }
0x144: {  	[sflag:s7] =	ssyncadd.s32 $0xFFFFF000  }
0x145: {  	[tilespmem:s8], [sflag:$0x2] =	stream.linear.gather [hbm4b:s29+s3], $0x1000, $0x38;
	[tilespmem:$0x1C700] =	vst v63  }
0x146: {  	_ =	swait.ge [sflag:s0], $0x1000  }
0x147: {  	[sflag:s0] =	ssyncset.done $0x0  }
0x148: {  	s15 =	simm.s32 $0x18740;
	[sflag:s0] =	ssyncadd.s32 $0xFFFFF000  }
0x149: {  	v0 =	vld [tilespmem:s15+$0x30]  }
0x14a: {  	v1 =	vld [tilespmem:s15+$0xFFFFFFD0]  }
0x14b: {  	v2 =	vld [tilespmem:s15+$0xFFFFFFE0]  }
0x14c: {  	v3 =	vld [tilespmem:s15+$0xFFFFFFF0]  }
0x14d: {  	v4 =	vld [tilespmem:s15+$0x0]  }
0x14e: {  	v6 =	vld [tilespmem:s15+$0x10]  }
0x14f: {  	v7 =	vld [tilespmem:s15+$0x20]  }
0x150: {  	v8 =	vld [tilespmem:s15+$0xFFFFFFC0]  }
0x151: {  	v9 =	vld.idx.msk [tilespmem:v0+s3+$0x0], $0xffff  }
0x152: {  	v10 =	vld.idx.msk [tilespmem:v1+s3+$0x0], $0xffff  }
0x153: {  	v5 =	vld.idx.msk [tilespmem:v2+s3+$0x0], $0xffff  }
0x154: {  	v3 =	vld.idx.msk [tilespmem:v3+s3+$0x0], $0xffff  }
0x155: {  	v0 =	vld.idx.msk [tilespmem:v4+s3+$0x0], $0xffff  }
0x156: {  	s13 =	simm.s32 $0x1A740;
	v1 =	vld.idx.msk [tilespmem:v6+s3+$0x0], $0xffff  }
0x157: {  	v2 =	vld.idx.msk [tilespmem:v7+s3+$0x0], $0xffff;
	[tilespmem:s13+$0x30] =	vst v9  }
0x158: {  	s14 =	simm.s32 $0x0;
	s15 =	simm.s32 $0x187C0;
	v4 =	vld.idx.msk [tilespmem:v8+s3+$0x0], $0xffff;
	[tilespmem:s13+$0xFFFFFFD0] =	vst v10  }
.LBB2_14:
0x159: {  	v6 =	vld [tilespmem:s15+$0x30];
	s14 =	sadd.s32 $0x8, s14;
	[tilespmem:s13+$0xFFFFFFE0] =	vst v5  }
0x15a: {  	v5 =	vld [tilespmem:s15+$0xFFFFFFD0];
	p0 =	slt.u32 s14, $0xF8;
	[tilespmem:s13+$0xFFFFFFF0] =	vst v3  }
0x15b: {  	v3 =	vld [tilespmem:s15+$0xFFFFFFE0];
	[tilespmem:s13+$0x0] =	vst v0  }
0x15c: {  	v0 =	vld [tilespmem:s15+$0xFFFFFFF0];
	[tilespmem:s13+$0x10] =	vst v1  }
0x15d: {  	v1 =	vld [tilespmem:s15+$0x0];
	[tilespmem:s13+$0x20] =	vst v2  }
0x15e: {  	v2 =	vld [tilespmem:s15+$0x10];
	[tilespmem:s13+$0xFFFFFFC0] =	vst v4  }
0x15f: {  	v4 =	vld [tilespmem:s15+$0x20]  }
0x160: {  	v7 =	vld [tilespmem:s15+$0xFFFFFFC0]  }
0x161: {  	v6 =	vld.idx.msk [tilespmem:v6+s3+$0x0], $0xffff  }
0x162: {  	v8 =	vld.idx.msk [tilespmem:v5+s3+$0x0], $0xffff  }
0x163: {  	v5 =	vld.idx.msk [tilespmem:v3+s3+$0x0], $0xffff  }
.Ltmp6:
0x164: {  	v3 =	vld.idx.msk [tilespmem:v0+s3+$0x0], $0xffff;
	(pc) =	sbr.rel @p0 .LBB2_14-.Ltmp6, $4  }
0x165: {  	v0 =	vld.idx.msk [tilespmem:v1+s3+$0x0], $0xffff  }
0x166: {  	s13 =	sadd.s32 $0x80, s13;
	v1 =	vld.idx.msk [tilespmem:v2+s3+$0x0], $0xffff  }
0x167: {  	v2 =	vld.idx.msk [tilespmem:v4+s3+$0x0], $0xffff;
	[tilespmem:s13+$0x30] =	vst v6  }
0x168: {  	s15 =	sadd.s32 $0x80, s15;
	v4 =	vld.idx.msk [tilespmem:v7+s3+$0x0], $0xffff;
	[tilespmem:s13+$0xFFFFFFD0] =	vst v8  }
0x169: {  	[tilespmem:s13+$0xFFFFFFE0] =	vst v5  }
0x16a: {  	[tilespmem:s13+$0xFFFFFFF0] =	vst v3  }
0x16b: {  	[tilespmem:s13+$0x0] =	vst v0  }
0x16c: {  	[tilespmem:s13+$0x10] =	vst v1  }
0x16d: {  	[tilespmem:s13+$0x20] =	vst v2  }
0x16e: {  	[tilespmem:s13+$0xFFFFFFC0] =	vst v4  }
0x16f: {  	s13 =	rddreg [dreg:$0xe]  }
0x170: {  	[hbm4b:s13+s2] =	stream.strided.scatter [tilespmem:s9], [sflag:$0x3], $0x1000, s4, s2, $0x38;
	[tilespmem:$0x1C700] =	vst v63  }
0x171: {  	_ =	swait.ge [sflag:s10], $0x1000  }
0x172: {  	[sflag:s10] =	ssyncset.done $0x0  }
0x173: {  	[sflag:s10] =	ssyncadd.s32 $0xFFFFF000  }
0x174: {  	_ =	swait.ge [sflag:s12], $0x1000  }
0x175: {  	[sflag:s12] =	ssyncset.done $0x0  }
0x176: {  	s15 =	simm.s32 $0x19740;
	[sflag:s12] =	ssyncadd.s32 $0xFFFFF000  }
0x177: {  	v0 =	vld [tilespmem:s15+$0x30]  }
0x178: {  	v1 =	vld [tilespmem:s15+$0xFFFFFFD0]  }
0x179: {  	v2 =	vld [tilespmem:s15+$0xFFFFFFE0]  }
0x17a: {  	v3 =	vld [tilespmem:s15+$0xFFFFFFF0]  }
0x17b: {  	v4 =	vld [tilespmem:s15+$0x0]  }
0x17c: {  	v6 =	vld [tilespmem:s15+$0x10]  }
0x17d: {  	v7 =	vld [tilespmem:s15+$0x20]  }
0x17e: {  	v8 =	vld [tilespmem:s15+$0xFFFFFFC0]  }
0x17f: {  	v9 =	vld.idx.msk [tilespmem:v0+s3+$0x0], $0xffff  }
0x180: {  	v10 =	vld.idx.msk [tilespmem:v1+s3+$0x0], $0xffff  }
0x181: {  	v5 =	vld.idx.msk [tilespmem:v2+s3+$0x0], $0xffff  }
0x182: {  	v3 =	vld.idx.msk [tilespmem:v3+s3+$0x0], $0xffff  }
0x183: {  	v0 =	vld.idx.msk [tilespmem:v4+s3+$0x0], $0xffff  }
0x184: {  	s13 =	simm.s32 $0x1B740;
	v1 =	vld.idx.msk [tilespmem:v6+s3+$0x0], $0xffff  }
0x185: {  	v2 =	vld.idx.msk [tilespmem:v7+s3+$0x0], $0xffff;
	[tilespmem:s13+$0x30] =	vst v9  }
0x186: {  	s14 =	simm.s32 $0x0;
	s15 =	simm.s32 $0x197C0;
	v4 =	vld.idx.msk [tilespmem:v8+s3+$0x0], $0xffff;
	[tilespmem:s13+$0xFFFFFFD0] =	vst v10  }
.LBB2_16:
0x187: {  	v6 =	vld [tilespmem:s15+$0x30];
	s14 =	sadd.s32 $0x8, s14;
	[tilespmem:s13+$0xFFFFFFE0] =	vst v5  }
0x188: {  	v5 =	vld [tilespmem:s15+$0xFFFFFFD0];
	p0 =	slt.u32 s14, $0xF8;
	[tilespmem:s13+$0xFFFFFFF0] =	vst v3  }
0x189: {  	v3 =	vld [tilespmem:s15+$0xFFFFFFE0];
	[tilespmem:s13+$0x0] =	vst v0  }
0x18a: {  	v0 =	vld [tilespmem:s15+$0xFFFFFFF0];
	[tilespmem:s13+$0x10] =	vst v1  }
0x18b: {  	v1 =	vld [tilespmem:s15+$0x0];
	[tilespmem:s13+$0x20] =	vst v2  }
0x18c: {  	v2 =	vld [tilespmem:s15+$0x10];
	[tilespmem:s13+$0xFFFFFFC0] =	vst v4  }
0x18d: {  	v4 =	vld [tilespmem:s15+$0x20]  }
0x18e: {  	v7 =	vld [tilespmem:s15+$0xFFFFFFC0]  }
0x18f: {  	v6 =	vld.idx.msk [tilespmem:v6+s3+$0x0], $0xffff  }
0x190: {  	v8 =	vld.idx.msk [tilespmem:v5+s3+$0x0], $0xffff  }
0x191: {  	v5 =	vld.idx.msk [tilespmem:v3+s3+$0x0], $0xffff  }
.Ltmp7:
0x192: {  	v3 =	vld.idx.msk [tilespmem:v0+s3+$0x0], $0xffff;
	(pc) =	sbr.rel @p0 .LBB2_16-.Ltmp7, $4  }
0x193: {  	v0 =	vld.idx.msk [tilespmem:v1+s3+$0x0], $0xffff  }
0x194: {  	s13 =	sadd.s32 $0x80, s13;
	v1 =	vld.idx.msk [tilespmem:v2+s3+$0x0], $0xffff  }
0x195: {  	v2 =	vld.idx.msk [tilespmem:v4+s3+$0x0], $0xffff;
	[tilespmem:s13+$0x30] =	vst v6  }
0x196: {  	s15 =	sadd.s32 $0x80, s15;
	v4 =	vld.idx.msk [tilespmem:v7+s3+$0x0], $0xffff;
	[tilespmem:s13+$0xFFFFFFD0] =	vst v8  }
0x197: {  	[tilespmem:s13+$0xFFFFFFE0] =	vst v5  }
0x198: {  	[tilespmem:s13+$0xFFFFFFF0] =	vst v3  }
0x199: {  	[tilespmem:s13+$0x0] =	vst v0  }
0x19a: {  	[tilespmem:s13+$0x10] =	vst v1  }
0x19b: {  	[tilespmem:s13+$0x20] =	vst v2  }
0x19c: {  	[tilespmem:s13+$0xFFFFFFC0] =	vst v4  }
0x19d: {  	s13 =	rddreg [dreg:$0x11]  }
0x19e: {  	[hbm4b:s13+s2] =	stream.strided.scatter [tilespmem:s11], [sflag:$0x4], $0x1000, s4, s2, $0x38;
	[tilespmem:$0x1C700] =	vst v63  }
0x19f: {  	s14 =	rddreg [dreg:$0xf]  }
0x1a0: {  	[tilespmem:s3], [sflag:$0x5] =	stream.strided.gather [hbm4b:s14+s2], $0x18700, s4, s2, $0x38;
	[tilespmem:$0x1C700] =	vst v63  }
0x1a1: {  	_ =	swait.ge [sflag:s5], $0x18700  }
0x1a2: {  	[sflag:s5] =	ssyncset.done $0x0  }
0x1a3: {  	[sflag:s5] =	ssyncadd.s32 $0xFFFE7900  }
0x1a4: {  	[tilespmem:s6], [sflag:$0x1] =	stream.linear.gather [hbm4b:s18+s3], $0x1000, $0x38;
	[tilespmem:$0x1C700] =	vst v63  }
0x1a5: {  	_ =	swait.ge [sflag:s7], $0x1000  }
0x1a6: {  	[sflag:s7] =	ssyncset.done $0x0  }
0x1a7: {  	[sflag:s7] =	ssyncadd.s32 $0xFFFFF000  }
0x1a8: {  	[tilespmem:s8], [sflag:$0x2] =	stream.linear.gather [hbm4b:s30+s3], $0x1000, $0x38;
	[tilespmem:$0x1C700] =	vst v63  }
0x1a9: {  	_ =	swait.ge [sflag:s0], $0x1000  }
0x1aa: {  	[sflag:s0] =	ssyncset.done $0x0  }
0x1ab: {  	s15 =	simm.s32 $0x18740;
	[sflag:s0] =	ssyncadd.s32 $0xFFFFF000  }
0x1ac: {  	v0 =	vld [tilespmem:s15+$0x30]  }
0x1ad: {  	v1 =	vld [tilespmem:s15+$0xFFFFFFD0]  }
0x1ae: {  	v2 =	vld [tilespmem:s15+$0xFFFFFFE0]  }
0x1af: {  	v3 =	vld [tilespmem:s15+$0xFFFFFFF0]  }
0x1b0: {  	v4 =	vld [tilespmem:s15+$0x0]  }
0x1b1: {  	v6 =	vld [tilespmem:s15+$0x10]  }
0x1b2: {  	v7 =	vld [tilespmem:s15+$0x20]  }
0x1b3: {  	v8 =	vld [tilespmem:s15+$0xFFFFFFC0]  }
0x1b4: {  	v9 =	vld.idx.msk [tilespmem:v0+s3+$0x0], $0xffff  }
0x1b5: {  	v10 =	vld.idx.msk [tilespmem:v1+s3+$0x0], $0xffff  }
0x1b6: {  	v5 =	vld.idx.msk [tilespmem:v2+s3+$0x0], $0xffff  }
0x1b7: {  	v3 =	vld.idx.msk [tilespmem:v3+s3+$0x0], $0xffff  }
0x1b8: {  	v0 =	vld.idx.msk [tilespmem:v4+s3+$0x0], $0xffff  }
0x1b9: {  	s13 =	simm.s32 $0x1A740;
	v1 =	vld.idx.msk [tilespmem:v6+s3+$0x0], $0xffff  }
0x1ba: {  	v2 =	vld.idx.msk [tilespmem:v7+s3+$0x0], $0xffff;
	[tilespmem:s13+$0x30] =	vst v9  }
0x1bb: {  	s14 =	simm.s32 $0x0;
	s15 =	simm.s32 $0x187C0;
	v4 =	vld.idx.msk [tilespmem:v8+s3+$0x0], $0xffff;
	[tilespmem:s13+$0xFFFFFFD0] =	vst v10  }
.LBB2_18:
0x1bc: {  	v6 =	vld [tilespmem:s15+$0x30];
	s14 =	sadd.s32 $0x8, s14;
	[tilespmem:s13+$0xFFFFFFE0] =	vst v5  }
0x1bd: {  	v5 =	vld [tilespmem:s15+$0xFFFFFFD0];
	p0 =	slt.u32 s14, $0xF8;
	[tilespmem:s13+$0xFFFFFFF0] =	vst v3  }
0x1be: {  	v3 =	vld [tilespmem:s15+$0xFFFFFFE0];
	[tilespmem:s13+$0x0] =	vst v0  }
0x1bf: {  	v0 =	vld [tilespmem:s15+$0xFFFFFFF0];
	[tilespmem:s13+$0x10] =	vst v1  }
0x1c0: {  	v1 =	vld [tilespmem:s15+$0x0];
	[tilespmem:s13+$0x20] =	vst v2  }
0x1c1: {  	v2 =	vld [tilespmem:s15+$0x10];
	[tilespmem:s13+$0xFFFFFFC0] =	vst v4  }
0x1c2: {  	v4 =	vld [tilespmem:s15+$0x20]  }
0x1c3: {  	v7 =	vld [tilespmem:s15+$0xFFFFFFC0]  }
0x1c4: {  	v6 =	vld.idx.msk [tilespmem:v6+s3+$0x0], $0xffff  }
0x1c5: {  	v8 =	vld.idx.msk [tilespmem:v5+s3+$0x0], $0xffff  }
0x1c6: {  	v5 =	vld.idx.msk [tilespmem:v3+s3+$0x0], $0xffff  }
.Ltmp8:
0x1c7: {  	v3 =	vld.idx.msk [tilespmem:v0+s3+$0x0], $0xffff;
	(pc) =	sbr.rel @p0 .LBB2_18-.Ltmp8, $4  }
0x1c8: {  	v0 =	vld.idx.msk [tilespmem:v1+s3+$0x0], $0xffff  }
0x1c9: {  	s13 =	sadd.s32 $0x80, s13;
	v1 =	vld.idx.msk [tilespmem:v2+s3+$0x0], $0xffff  }
0x1ca: {  	v2 =	vld.idx.msk [tilespmem:v4+s3+$0x0], $0xffff;
	[tilespmem:s13+$0x30] =	vst v6  }
0x1cb: {  	s15 =	sadd.s32 $0x80, s15;
	v4 =	vld.idx.msk [tilespmem:v7+s3+$0x0], $0xffff;
	[tilespmem:s13+$0xFFFFFFD0] =	vst v8  }
0x1cc: {  	[tilespmem:s13+$0xFFFFFFE0] =	vst v5  }
0x1cd: {  	[tilespmem:s13+$0xFFFFFFF0] =	vst v3  }
0x1ce: {  	[tilespmem:s13+$0x0] =	vst v0  }
0x1cf: {  	[tilespmem:s13+$0x10] =	vst v1  }
0x1d0: {  	[tilespmem:s13+$0x20] =	vst v2  }
0x1d1: {  	[tilespmem:s13+$0xFFFFFFC0] =	vst v4  }
0x1d2: {  	s13 =	rddreg [dreg:$0x12]  }
0x1d3: {  	[hbm4b:s13+s2] =	stream.strided.scatter [tilespmem:s9], [sflag:$0x3], $0x1000, s4, s2, $0x38;
	[tilespmem:$0x1C700] =	vst v63  }
0x1d4: {  	_ =	swait.ge [sflag:s10], $0x1000  }
0x1d5: {  	[sflag:s10] =	ssyncset.done $0x0  }
0x1d6: {  	[sflag:s10] =	ssyncadd.s32 $0xFFFFF000  }
0x1d7: {  	[tilespmem:s6], [sflag:$0x1] =	stream.linear.gather [hbm4b:s31+s3], $0x1000, $0x38;
	[tilespmem:$0x1C700] =	vst v63  }
0x1d8: {  	_ =	swait.ge [sflag:s12], $0x1000  }
0x1d9: {  	[sflag:s12] =	ssyncset.done $0x0  }
0x1da: {  	s15 =	simm.s32 $0x19740;
	[sflag:s12] =	ssyncadd.s32 $0xFFFFF000  }
0x1db: {  	v0 =	vld [tilespmem:s15+$0x30]  }
0x1dc: {  	v1 =	vld [tilespmem:s15+$0xFFFFFFD0]  }
0x1dd: {  	v2 =	vld [tilespmem:s15+$0xFFFFFFE0]  }
0x1de: {  	v3 =	vld [tilespmem:s15+$0xFFFFFFF0]  }
0x1df: {  	v4 =	vld [tilespmem:s15+$0x0]  }
0x1e0: {  	v6 =	vld [tilespmem:s15+$0x10]  }
0x1e1: {  	v7 =	vld [tilespmem:s15+$0x20]  }
0x1e2: {  	v8 =	vld [tilespmem:s15+$0xFFFFFFC0]  }
0x1e3: {  	v9 =	vld.idx.msk [tilespmem:v0+s3+$0x0], $0xffff  }
0x1e4: {  	v10 =	vld.idx.msk [tilespmem:v1+s3+$0x0], $0xffff  }
0x1e5: {  	v5 =	vld.idx.msk [tilespmem:v2+s3+$0x0], $0xffff  }
0x1e6: {  	v3 =	vld.idx.msk [tilespmem:v3+s3+$0x0], $0xffff  }
0x1e7: {  	v0 =	vld.idx.msk [tilespmem:v4+s3+$0x0], $0xffff  }
0x1e8: {  	s13 =	simm.s32 $0x1B740;
	v1 =	vld.idx.msk [tilespmem:v6+s3+$0x0], $0xffff  }
0x1e9: {  	v2 =	vld.idx.msk [tilespmem:v7+s3+$0x0], $0xffff;
	[tilespmem:s13+$0x30] =	vst v9  }
0x1ea: {  	s14 =	simm.s32 $0x0;
	s15 =	simm.s32 $0x197C0;
	v4 =	vld.idx.msk [tilespmem:v8+s3+$0x0], $0xffff;
	[tilespmem:s13+$0xFFFFFFD0] =	vst v10  }
.LBB2_20:
0x1eb: {  	v6 =	vld [tilespmem:s15+$0x30];
	s14 =	sadd.s32 $0x8, s14;
	[tilespmem:s13+$0xFFFFFFE0] =	vst v5  }
0x1ec: {  	v5 =	vld [tilespmem:s15+$0xFFFFFFD0];
	p0 =	slt.u32 s14, $0xF8;
	[tilespmem:s13+$0xFFFFFFF0] =	vst v3  }
0x1ed: {  	v3 =	vld [tilespmem:s15+$0xFFFFFFE0];
	[tilespmem:s13+$0x0] =	vst v0  }
0x1ee: {  	v0 =	vld [tilespmem:s15+$0xFFFFFFF0];
	[tilespmem:s13+$0x10] =	vst v1  }
0x1ef: {  	v1 =	vld [tilespmem:s15+$0x0];
	[tilespmem:s13+$0x20] =	vst v2  }
0x1f0: {  	v2 =	vld [tilespmem:s15+$0x10];
	[tilespmem:s13+$0xFFFFFFC0] =	vst v4  }
0x1f1: {  	v4 =	vld [tilespmem:s15+$0x20]  }
0x1f2: {  	v7 =	vld [tilespmem:s15+$0xFFFFFFC0]  }
0x1f3: {  	v6 =	vld.idx.msk [tilespmem:v6+s3+$0x0], $0xffff  }
0x1f4: {  	v8 =	vld.idx.msk [tilespmem:v5+s3+$0x0], $0xffff  }
0x1f5: {  	v5 =	vld.idx.msk [tilespmem:v3+s3+$0x0], $0xffff  }
.Ltmp9:
0x1f6: {  	v3 =	vld.idx.msk [tilespmem:v0+s3+$0x0], $0xffff;
	(pc) =	sbr.rel @p0 .LBB2_20-.Ltmp9, $4  }
0x1f7: {  	v0 =	vld.idx.msk [tilespmem:v1+s3+$0x0], $0xffff  }
0x1f8: {  	s13 =	sadd.s32 $0x80, s13;
	v1 =	vld.idx.msk [tilespmem:v2+s3+$0x0], $0xffff  }
0x1f9: {  	v2 =	vld.idx.msk [tilespmem:v4+s3+$0x0], $0xffff;
	[tilespmem:s13+$0x30] =	vst v6  }
0x1fa: {  	s15 =	sadd.s32 $0x80, s15;
	v4 =	vld.idx.msk [tilespmem:v7+s3+$0x0], $0xffff;
	[tilespmem:s13+$0xFFFFFFD0] =	vst v8  }
0x1fb: {  	[tilespmem:s13+$0xFFFFFFE0] =	vst v5  }
0x1fc: {  	[tilespmem:s13+$0xFFFFFFF0] =	vst v3  }
0x1fd: {  	[tilespmem:s13+$0x0] =	vst v0  }
0x1fe: {  	[tilespmem:s13+$0x10] =	vst v1  }
0x1ff: {  	[tilespmem:s13+$0x20] =	vst v2  }
0x200: {  	[tilespmem:s13+$0xFFFFFFC0] =	vst v4  }
0x201: {  	s13 =	rddreg [dreg:$0x13]  }
0x202: {  	[hbm4b:s13+s2] =	stream.strided.scatter [tilespmem:s11], [sflag:$0x4], $0x1000, s4, s2, $0x38;
	[tilespmem:$0x1C700] =	vst v63  }
0x203: {  	_ =	swait.ge [sflag:s7], $0x1000  }
0x204: {  	[sflag:s7] =	ssyncset.done $0x0  }
0x205: {  	[sflag:s7] =	ssyncadd.s32 $0xFFFFF000  }
0x206: {  	[tilespmem:s8], [sflag:$0x2] =	stream.linear.gather [hbm4b:s17+s3], $0x1000, $0x38;
	[tilespmem:$0x1C700] =	vst v63  }
0x207: {  	_ =	swait.ge [sflag:s0], $0x1000  }
0x208: {  	[sflag:s0] =	ssyncset.done $0x0  }
0x209: {  	s15 =	simm.s32 $0x18740;
	[sflag:s0] =	ssyncadd.s32 $0xFFFFF000  }
0x20a: {  	v0 =	vld [tilespmem:s15+$0x30]  }
0x20b: {  	v1 =	vld [tilespmem:s15+$0xFFFFFFD0]  }
0x20c: {  	v2 =	vld [tilespmem:s15+$0xFFFFFFE0]  }
0x20d: {  	v3 =	vld [tilespmem:s15+$0xFFFFFFF0]  }
0x20e: {  	v4 =	vld [tilespmem:s15+$0x0]  }
0x20f: {  	v6 =	vld [tilespmem:s15+$0x10]  }
0x210: {  	v7 =	vld [tilespmem:s15+$0x20]  }
0x211: {  	v8 =	vld [tilespmem:s15+$0xFFFFFFC0]  }
0x212: {  	v9 =	vld.idx.msk [tilespmem:v0+s3+$0x0], $0xffff  }
0x213: {  	v10 =	vld.idx.msk [tilespmem:v1+s3+$0x0], $0xffff  }
0x214: {  	v5 =	vld.idx.msk [tilespmem:v2+s3+$0x0], $0xffff  }
0x215: {  	v3 =	vld.idx.msk [tilespmem:v3+s3+$0x0], $0xffff  }
0x216: {  	v0 =	vld.idx.msk [tilespmem:v4+s3+$0x0], $0xffff  }
0x217: {  	s13 =	simm.s32 $0x1A740;
	v1 =	vld.idx.msk [tilespmem:v6+s3+$0x0], $0xffff  }
0x218: {  	v2 =	vld.idx.msk [tilespmem:v7+s3+$0x0], $0xffff;
	[tilespmem:s13+$0x30] =	vst v9  }
0x219: {  	s14 =	simm.s32 $0x0;
	s15 =	simm.s32 $0x187C0;
	v4 =	vld.idx.msk [tilespmem:v8+s3+$0x0], $0xffff;
	[tilespmem:s13+$0xFFFFFFD0] =	vst v10  }
.LBB2_22:
0x21a: {  	v6 =	vld [tilespmem:s15+$0x30];
	s14 =	sadd.s32 $0x8, s14;
	[tilespmem:s13+$0xFFFFFFE0] =	vst v5  }
0x21b: {  	v5 =	vld [tilespmem:s15+$0xFFFFFFD0];
	p0 =	slt.u32 s14, $0xF8;
	[tilespmem:s13+$0xFFFFFFF0] =	vst v3  }
0x21c: {  	v3 =	vld [tilespmem:s15+$0xFFFFFFE0];
	[tilespmem:s13+$0x0] =	vst v0  }
0x21d: {  	v0 =	vld [tilespmem:s15+$0xFFFFFFF0];
	[tilespmem:s13+$0x10] =	vst v1  }
0x21e: {  	v1 =	vld [tilespmem:s15+$0x0];
	[tilespmem:s13+$0x20] =	vst v2  }
0x21f: {  	v2 =	vld [tilespmem:s15+$0x10];
	[tilespmem:s13+$0xFFFFFFC0] =	vst v4  }
0x220: {  	v4 =	vld [tilespmem:s15+$0x20]  }
0x221: {  	v7 =	vld [tilespmem:s15+$0xFFFFFFC0]  }
0x222: {  	v6 =	vld.idx.msk [tilespmem:v6+s3+$0x0], $0xffff  }
0x223: {  	v8 =	vld.idx.msk [tilespmem:v5+s3+$0x0], $0xffff  }
0x224: {  	v5 =	vld.idx.msk [tilespmem:v3+s3+$0x0], $0xffff  }
.Ltmp10:
0x225: {  	v3 =	vld.idx.msk [tilespmem:v0+s3+$0x0], $0xffff;
	(pc) =	sbr.rel @p0 .LBB2_22-.Ltmp10, $4  }
0x226: {  	v0 =	vld.idx.msk [tilespmem:v1+s3+$0x0], $0xffff  }
0x227: {  	s13 =	sadd.s32 $0x80, s13;
	v1 =	vld.idx.msk [tilespmem:v2+s3+$0x0], $0xffff  }
0x228: {  	v2 =	vld.idx.msk [tilespmem:v4+s3+$0x0], $0xffff;
	[tilespmem:s13+$0x30] =	vst v6  }
0x229: {  	s15 =	sadd.s32 $0x80, s15;
	v4 =	vld.idx.msk [tilespmem:v7+s3+$0x0], $0xffff;
	[tilespmem:s13+$0xFFFFFFD0] =	vst v8  }
0x22a: {  	[tilespmem:s13+$0xFFFFFFE0] =	vst v5  }
0x22b: {  	[tilespmem:s13+$0xFFFFFFF0] =	vst v3  }
0x22c: {  	[tilespmem:s13+$0x0] =	vst v0  }
0x22d: {  	[tilespmem:s13+$0x10] =	vst v1  }
0x22e: {  	[tilespmem:s13+$0x20] =	vst v2  }
0x22f: {  	[tilespmem:s13+$0xFFFFFFC0] =	vst v4  }
0x230: {  	[hbm4b:s19+s2] =	stream.strided.scatter [tilespmem:s9], [sflag:$0x3], $0x1000, s4, s2, $0x38;
	[tilespmem:$0x1C700] =	vst v63  }
0x231: {  	_ =	swait.ge [sflag:s10], $0x1000  }
0x232: {  	[sflag:s10] =	ssyncset.done $0x0  }
0x233: {  	[sflag:s10] =	ssyncadd.s32 $0xFFFFF000  }
0x234: {  	_ =	swait.ge [sflag:s12], $0x1000  }
0x235: {  	[sflag:s12] =	ssyncset.done $0x0  }
0x236: {  	s15 =	simm.s32 $0x19740;
	[sflag:s12] =	ssyncadd.s32 $0xFFFFF000  }
0x237: {  	v0 =	vld [tilespmem:s15+$0x30]  }
0x238: {  	v1 =	vld [tilespmem:s15+$0xFFFFFFD0]  }
0x239: {  	v2 =	vld [tilespmem:s15+$0xFFFFFFE0]  }
0x23a: {  	v3 =	vld [tilespmem:s15+$0xFFFFFFF0]  }
0x23b: {  	v4 =	vld [tilespmem:s15+$0x0]  }
0x23c: {  	v6 =	vld [tilespmem:s15+$0x10]  }
0x23d: {  	v7 =	vld [tilespmem:s15+$0x20]  }
0x23e: {  	v8 =	vld [tilespmem:s15+$0xFFFFFFC0]  }
0x23f: {  	v9 =	vld.idx.msk [tilespmem:v0+s3+$0x0], $0xffff  }
0x240: {  	v10 =	vld.idx.msk [tilespmem:v1+s3+$0x0], $0xffff  }
0x241: {  	v5 =	vld.idx.msk [tilespmem:v2+s3+$0x0], $0xffff  }
0x242: {  	v3 =	vld.idx.msk [tilespmem:v3+s3+$0x0], $0xffff  }
0x243: {  	v0 =	vld.idx.msk [tilespmem:v4+s3+$0x0], $0xffff  }
0x244: {  	s13 =	simm.s32 $0x1B740;
	v1 =	vld.idx.msk [tilespmem:v6+s3+$0x0], $0xffff  }
0x245: {  	v2 =	vld.idx.msk [tilespmem:v7+s3+$0x0], $0xffff;
	[tilespmem:s13+$0x30] =	vst v9  }
0x246: {  	s14 =	simm.s32 $0x0;
	s15 =	simm.s32 $0x197C0;
	v4 =	vld.idx.msk [tilespmem:v8+s3+$0x0], $0xffff;
	[tilespmem:s13+$0xFFFFFFD0] =	vst v10  }
.LBB2_24:
0x247: {  	v6 =	vld [tilespmem:s15+$0x30];
	s14 =	sadd.s32 $0x8, s14;
	[tilespmem:s13+$0xFFFFFFE0] =	vst v5  }
0x248: {  	v5 =	vld [tilespmem:s15+$0xFFFFFFD0];
	p0 =	slt.u32 s14, $0xF8;
	[tilespmem:s13+$0xFFFFFFF0] =	vst v3  }
0x249: {  	v3 =	vld [tilespmem:s15+$0xFFFFFFE0];
	[tilespmem:s13+$0x0] =	vst v0  }
0x24a: {  	v0 =	vld [tilespmem:s15+$0xFFFFFFF0];
	[tilespmem:s13+$0x10] =	vst v1  }
0x24b: {  	v1 =	vld [tilespmem:s15+$0x0];
	[tilespmem:s13+$0x20] =	vst v2  }
0x24c: {  	v2 =	vld [tilespmem:s15+$0x10];
	[tilespmem:s13+$0xFFFFFFC0] =	vst v4  }
0x24d: {  	v4 =	vld [tilespmem:s15+$0x20]  }
0x24e: {  	v7 =	vld [tilespmem:s15+$0xFFFFFFC0]  }
0x24f: {  	v6 =	vld.idx.msk [tilespmem:v6+s3+$0x0], $0xffff  }
0x250: {  	v8 =	vld.idx.msk [tilespmem:v5+s3+$0x0], $0xffff  }
0x251: {  	v5 =	vld.idx.msk [tilespmem:v3+s3+$0x0], $0xffff  }
.Ltmp11:
0x252: {  	v3 =	vld.idx.msk [tilespmem:v0+s3+$0x0], $0xffff;
	(pc) =	sbr.rel @p0 .LBB2_24-.Ltmp11, $4  }
0x253: {  	v0 =	vld.idx.msk [tilespmem:v1+s3+$0x0], $0xffff  }
0x254: {  	s13 =	sadd.s32 $0x80, s13;
	v1 =	vld.idx.msk [tilespmem:v2+s3+$0x0], $0xffff  }
0x255: {  	v2 =	vld.idx.msk [tilespmem:v4+s3+$0x0], $0xffff;
	[tilespmem:s13+$0x30] =	vst v6  }
0x256: {  	s15 =	sadd.s32 $0x80, s15;
	v4 =	vld.idx.msk [tilespmem:v7+s3+$0x0], $0xffff;
	[tilespmem:s13+$0xFFFFFFD0] =	vst v8  }
0x257: {  	[tilespmem:s13+$0xFFFFFFE0] =	vst v5  }
0x258: {  	[tilespmem:s13+$0xFFFFFFF0] =	vst v3  }
0x259: {  	[tilespmem:s13+$0x0] =	vst v0  }
0x25a: {  	[tilespmem:s13+$0x10] =	vst v1  }
0x25b: {  	[tilespmem:s13+$0x20] =	vst v2  }
0x25c: {  	[tilespmem:s13+$0xFFFFFFC0] =	vst v4  }
0x25d: {  	[hbm4b:s20+s2] =	stream.strided.scatter [tilespmem:s11], [sflag:$0x4], $0x1000, s4, s2, $0x38;
	[tilespmem:$0x1C700] =	vst v63  }
0x25e: {  	s13 =	rddreg [dreg:$0x10]  }
0x25f: {  	[tilespmem:s3], [sflag:$0x5] =	stream.strided.gather [hbm4b:s13+s2], $0x18700, s4, s2, $0x38;
	[tilespmem:$0x1C700] =	vst v63  }
0x260: {  	_ =	swait.ge [sflag:s5], $0x18700  }
0x261: {  	[sflag:s5] =	ssyncset.done $0x0  }
0x262: {  	[sflag:s5] =	ssyncadd.s32 $0xFFFE7900  }
0x263: {  	[tilespmem:s6], [sflag:$0x1] =	stream.linear.gather [hbm4b:s18+s3], $0x1000, $0x38;
	[tilespmem:$0x1C700] =	vst v63  }
0x264: {  	_ =	swait.ge [sflag:s7], $0x1000  }
0x265: {  	[sflag:s7] =	ssyncset.done $0x0  }
0x266: {  	[sflag:s7] =	ssyncadd.s32 $0xFFFFF000  }
0x267: {  	[tilespmem:s8], [sflag:$0x2] =	stream.linear.gather [hbm4b:s30+s3], $0x1000, $0x38;
	[tilespmem:$0x1C700] =	vst v63  }
0x268: {  	_ =	swait.ge [sflag:s0], $0x1000  }
0x269: {  	[sflag:s0] =	ssyncset.done $0x0  }
0x26a: {  	s15 =	simm.s32 $0x18740;
	[sflag:s0] =	ssyncadd.s32 $0xFFFFF000  }
0x26b: {  	v0 =	vld [tilespmem:s15+$0x30]  }
0x26c: {  	v1 =	vld [tilespmem:s15+$0xFFFFFFD0]  }
0x26d: {  	v2 =	vld [tilespmem:s15+$0xFFFFFFE0]  }
0x26e: {  	v3 =	vld [tilespmem:s15+$0xFFFFFFF0]  }
0x26f: {  	v4 =	vld [tilespmem:s15+$0x0]  }
0x270: {  	v6 =	vld [tilespmem:s15+$0x10]  }
0x271: {  	v7 =	vld [tilespmem:s15+$0x20]  }
0x272: {  	v8 =	vld [tilespmem:s15+$0xFFFFFFC0]  }
0x273: {  	v9 =	vld.idx.msk [tilespmem:v0+s3+$0x0], $0xffff  }
0x274: {  	v10 =	vld.idx.msk [tilespmem:v1+s3+$0x0], $0xffff  }
0x275: {  	v5 =	vld.idx.msk [tilespmem:v2+s3+$0x0], $0xffff  }
0x276: {  	v3 =	vld.idx.msk [tilespmem:v3+s3+$0x0], $0xffff  }
0x277: {  	v0 =	vld.idx.msk [tilespmem:v4+s3+$0x0], $0xffff  }
0x278: {  	s13 =	simm.s32 $0x1A740;
	v1 =	vld.idx.msk [tilespmem:v6+s3+$0x0], $0xffff  }
0x279: {  	v2 =	vld.idx.msk [tilespmem:v7+s3+$0x0], $0xffff;
	[tilespmem:s13+$0x30] =	vst v9  }
0x27a: {  	s14 =	simm.s32 $0x0;
	s15 =	simm.s32 $0x187C0;
	v4 =	vld.idx.msk [tilespmem:v8+s3+$0x0], $0xffff;
	[tilespmem:s13+$0xFFFFFFD0] =	vst v10  }
.LBB2_26:
0x27b: {  	v6 =	vld [tilespmem:s15+$0x30];
	s14 =	sadd.s32 $0x8, s14;
	[tilespmem:s13+$0xFFFFFFE0] =	vst v5  }
0x27c: {  	v5 =	vld [tilespmem:s15+$0xFFFFFFD0];
	p0 =	slt.u32 s14, $0xF8;
	[tilespmem:s13+$0xFFFFFFF0] =	vst v3  }
0x27d: {  	v3 =	vld [tilespmem:s15+$0xFFFFFFE0];
	[tilespmem:s13+$0x0] =	vst v0  }
0x27e: {  	v0 =	vld [tilespmem:s15+$0xFFFFFFF0];
	[tilespmem:s13+$0x10] =	vst v1  }
0x27f: {  	v1 =	vld [tilespmem:s15+$0x0];
	[tilespmem:s13+$0x20] =	vst v2  }
0x280: {  	v2 =	vld [tilespmem:s15+$0x10];
	[tilespmem:s13+$0xFFFFFFC0] =	vst v4  }
0x281: {  	v4 =	vld [tilespmem:s15+$0x20]  }
0x282: {  	v7 =	vld [tilespmem:s15+$0xFFFFFFC0]  }
0x283: {  	v6 =	vld.idx.msk [tilespmem:v6+s3+$0x0], $0xffff  }
0x284: {  	v8 =	vld.idx.msk [tilespmem:v5+s3+$0x0], $0xffff  }
0x285: {  	v5 =	vld.idx.msk [tilespmem:v3+s3+$0x0], $0xffff  }
.Ltmp12:
0x286: {  	v3 =	vld.idx.msk [tilespmem:v0+s3+$0x0], $0xffff;
	(pc) =	sbr.rel @p0 .LBB2_26-.Ltmp12, $4  }
0x287: {  	v0 =	vld.idx.msk [tilespmem:v1+s3+$0x0], $0xffff  }
0x288: {  	s13 =	sadd.s32 $0x80, s13;
	v1 =	vld.idx.msk [tilespmem:v2+s3+$0x0], $0xffff  }
0x289: {  	v2 =	vld.idx.msk [tilespmem:v4+s3+$0x0], $0xffff;
	[tilespmem:s13+$0x30] =	vst v6  }
0x28a: {  	s15 =	sadd.s32 $0x80, s15;
	v4 =	vld.idx.msk [tilespmem:v7+s3+$0x0], $0xffff;
	[tilespmem:s13+$0xFFFFFFD0] =	vst v8  }
0x28b: {  	[tilespmem:s13+$0xFFFFFFE0] =	vst v5  }
0x28c: {  	[tilespmem:s13+$0xFFFFFFF0] =	vst v3  }
0x28d: {  	[tilespmem:s13+$0x0] =	vst v0  }
0x28e: {  	[tilespmem:s13+$0x10] =	vst v1  }
0x28f: {  	[tilespmem:s13+$0x20] =	vst v2  }
0x290: {  	[tilespmem:s13+$0xFFFFFFC0] =	vst v4  }
0x291: {  	[hbm4b:s21+s2] =	stream.strided.scatter [tilespmem:s9], [sflag:$0x3], $0x1000, s4, s2, $0x38;
	[tilespmem:$0x1C700] =	vst v63  }
0x292: {  	_ =	swait.ge [sflag:s10], $0x1000  }
0x293: {  	[sflag:s10] =	ssyncset.done $0x0  }
0x294: {  	[sflag:s10] =	ssyncadd.s32 $0xFFFFF000  }
0x295: {  	[tilespmem:s6], [sflag:$0x1] =	stream.linear.gather [hbm4b:s31+s3], $0x1000, $0x38;
	[tilespmem:$0x1C700] =	vst v63  }
0x296: {  	_ =	swait.ge [sflag:s12], $0x1000  }
0x297: {  	[sflag:s12] =	ssyncset.done $0x0  }
0x298: {  	s15 =	simm.s32 $0x19740;
	[sflag:s12] =	ssyncadd.s32 $0xFFFFF000  }
0x299: {  	v0 =	vld [tilespmem:s15+$0x30]  }
0x29a: {  	v1 =	vld [tilespmem:s15+$0xFFFFFFD0]  }
0x29b: {  	v2 =	vld [tilespmem:s15+$0xFFFFFFE0]  }
0x29c: {  	v3 =	vld [tilespmem:s15+$0xFFFFFFF0]  }
0x29d: {  	v4 =	vld [tilespmem:s15+$0x0]  }
0x29e: {  	v6 =	vld [tilespmem:s15+$0x10]  }
0x29f: {  	v7 =	vld [tilespmem:s15+$0x20]  }
0x2a0: {  	v8 =	vld [tilespmem:s15+$0xFFFFFFC0]  }
0x2a1: {  	v9 =	vld.idx.msk [tilespmem:v0+s3+$0x0], $0xffff  }
0x2a2: {  	v10 =	vld.idx.msk [tilespmem:v1+s3+$0x0], $0xffff  }
0x2a3: {  	v5 =	vld.idx.msk [tilespmem:v2+s3+$0x0], $0xffff  }
0x2a4: {  	v3 =	vld.idx.msk [tilespmem:v3+s3+$0x0], $0xffff  }
0x2a5: {  	v0 =	vld.idx.msk [tilespmem:v4+s3+$0x0], $0xffff  }
0x2a6: {  	s13 =	simm.s32 $0x1B740;
	v1 =	vld.idx.msk [tilespmem:v6+s3+$0x0], $0xffff  }
0x2a7: {  	v2 =	vld.idx.msk [tilespmem:v7+s3+$0x0], $0xffff;
	[tilespmem:s13+$0x30] =	vst v9  }
0x2a8: {  	s14 =	simm.s32 $0x0;
	s15 =	simm.s32 $0x197C0;
	v4 =	vld.idx.msk [tilespmem:v8+s3+$0x0], $0xffff;
	[tilespmem:s13+$0xFFFFFFD0] =	vst v10  }
.LBB2_28:
0x2a9: {  	v6 =	vld [tilespmem:s15+$0x30];
	s14 =	sadd.s32 $0x8, s14;
	[tilespmem:s13+$0xFFFFFFE0] =	vst v5  }
0x2aa: {  	v5 =	vld [tilespmem:s15+$0xFFFFFFD0];
	p0 =	slt.u32 s14, $0xF8;
	[tilespmem:s13+$0xFFFFFFF0] =	vst v3  }
0x2ab: {  	v3 =	vld [tilespmem:s15+$0xFFFFFFE0];
	[tilespmem:s13+$0x0] =	vst v0  }
0x2ac: {  	v0 =	vld [tilespmem:s15+$0xFFFFFFF0];
	[tilespmem:s13+$0x10] =	vst v1  }
0x2ad: {  	v1 =	vld [tilespmem:s15+$0x0];
	[tilespmem:s13+$0x20] =	vst v2  }
0x2ae: {  	v2 =	vld [tilespmem:s15+$0x10];
	[tilespmem:s13+$0xFFFFFFC0] =	vst v4  }
0x2af: {  	v4 =	vld [tilespmem:s15+$0x20]  }
0x2b0: {  	v7 =	vld [tilespmem:s15+$0xFFFFFFC0]  }
0x2b1: {  	v6 =	vld.idx.msk [tilespmem:v6+s3+$0x0], $0xffff  }
0x2b2: {  	v8 =	vld.idx.msk [tilespmem:v5+s3+$0x0], $0xffff  }
0x2b3: {  	v5 =	vld.idx.msk [tilespmem:v3+s3+$0x0], $0xffff  }
.Ltmp13:
0x2b4: {  	v3 =	vld.idx.msk [tilespmem:v0+s3+$0x0], $0xffff;
	(pc) =	sbr.rel @p0 .LBB2_28-.Ltmp13, $4  }
0x2b5: {  	v0 =	vld.idx.msk [tilespmem:v1+s3+$0x0], $0xffff  }
0x2b6: {  	s13 =	sadd.s32 $0x80, s13;
	v1 =	vld.idx.msk [tilespmem:v2+s3+$0x0], $0xffff  }
0x2b7: {  	v2 =	vld.idx.msk [tilespmem:v4+s3+$0x0], $0xffff;
	[tilespmem:s13+$0x30] =	vst v6  }
0x2b8: {  	s15 =	sadd.s32 $0x80, s15;
	v4 =	vld.idx.msk [tilespmem:v7+s3+$0x0], $0xffff;
	[tilespmem:s13+$0xFFFFFFD0] =	vst v8  }
0x2b9: {  	[tilespmem:s13+$0xFFFFFFE0] =	vst v5  }
0x2ba: {  	[tilespmem:s13+$0xFFFFFFF0] =	vst v3  }
0x2bb: {  	[tilespmem:s13+$0x0] =	vst v0  }
0x2bc: {  	[tilespmem:s13+$0x10] =	vst v1  }
0x2bd: {  	[tilespmem:s13+$0x20] =	vst v2  }
0x2be: {  	[tilespmem:s13+$0xFFFFFFC0] =	vst v4  }
0x2bf: {  	[hbm4b:s22+s2] =	stream.strided.scatter [tilespmem:s11], [sflag:$0x4], $0x1000, s4, s2, $0x38;
	[tilespmem:$0x1C700] =	vst v63  }
0x2c0: {  	_ =	swait.ge [sflag:s7], $0x1000  }
0x2c1: {  	[sflag:s7] =	ssyncset.done $0x0  }
0x2c2: {  	[sflag:s7] =	ssyncadd.s32 $0xFFFFF000  }
0x2c3: {  	[tilespmem:s8], [sflag:$0x2] =	stream.linear.gather [hbm4b:s17+s3], $0x1000, $0x38;
	[tilespmem:$0x1C700] =	vst v63  }
0x2c4: {  	_ =	swait.ge [sflag:s0], $0x1000  }
0x2c5: {  	[sflag:s0] =	ssyncset.done $0x0  }
0x2c6: {  	s15 =	simm.s32 $0x18740;
	[sflag:s0] =	ssyncadd.s32 $0xFFFFF000  }
0x2c7: {  	v0 =	vld [tilespmem:s15+$0x30]  }
0x2c8: {  	v1 =	vld [tilespmem:s15+$0xFFFFFFD0]  }
0x2c9: {  	v2 =	vld [tilespmem:s15+$0xFFFFFFE0]  }
0x2ca: {  	v3 =	vld [tilespmem:s15+$0xFFFFFFF0]  }
0x2cb: {  	v4 =	vld [tilespmem:s15+$0x0]  }
0x2cc: {  	v6 =	vld [tilespmem:s15+$0x10]  }
0x2cd: {  	v7 =	vld [tilespmem:s15+$0x20]  }
0x2ce: {  	v8 =	vld [tilespmem:s15+$0xFFFFFFC0]  }
0x2cf: {  	v9 =	vld.idx.msk [tilespmem:v0+s3+$0x0], $0xffff  }
0x2d0: {  	v10 =	vld.idx.msk [tilespmem:v1+s3+$0x0], $0xffff  }
0x2d1: {  	v5 =	vld.idx.msk [tilespmem:v2+s3+$0x0], $0xffff  }
0x2d2: {  	v3 =	vld.idx.msk [tilespmem:v3+s3+$0x0], $0xffff  }
0x2d3: {  	v0 =	vld.idx.msk [tilespmem:v4+s3+$0x0], $0xffff  }
0x2d4: {  	s13 =	simm.s32 $0x1A740;
	v1 =	vld.idx.msk [tilespmem:v6+s3+$0x0], $0xffff  }
0x2d5: {  	v2 =	vld.idx.msk [tilespmem:v7+s3+$0x0], $0xffff;
	[tilespmem:s13+$0x30] =	vst v9  }
0x2d6: {  	s14 =	simm.s32 $0x0;
	s15 =	simm.s32 $0x187C0;
	v4 =	vld.idx.msk [tilespmem:v8+s3+$0x0], $0xffff;
	[tilespmem:s13+$0xFFFFFFD0] =	vst v10  }
.LBB2_30:
0x2d7: {  	v6 =	vld [tilespmem:s15+$0x30];
	s14 =	sadd.s32 $0x8, s14;
	[tilespmem:s13+$0xFFFFFFE0] =	vst v5  }
0x2d8: {  	v5 =	vld [tilespmem:s15+$0xFFFFFFD0];
	p0 =	slt.u32 s14, $0xF8;
	[tilespmem:s13+$0xFFFFFFF0] =	vst v3  }
0x2d9: {  	v3 =	vld [tilespmem:s15+$0xFFFFFFE0];
	[tilespmem:s13+$0x0] =	vst v0  }
0x2da: {  	v0 =	vld [tilespmem:s15+$0xFFFFFFF0];
	[tilespmem:s13+$0x10] =	vst v1  }
0x2db: {  	v1 =	vld [tilespmem:s15+$0x0];
	[tilespmem:s13+$0x20] =	vst v2  }
0x2dc: {  	v2 =	vld [tilespmem:s15+$0x10];
	[tilespmem:s13+$0xFFFFFFC0] =	vst v4  }
0x2dd: {  	v4 =	vld [tilespmem:s15+$0x20]  }
0x2de: {  	v7 =	vld [tilespmem:s15+$0xFFFFFFC0]  }
0x2df: {  	v6 =	vld.idx.msk [tilespmem:v6+s3+$0x0], $0xffff  }
0x2e0: {  	v8 =	vld.idx.msk [tilespmem:v5+s3+$0x0], $0xffff  }
0x2e1: {  	v5 =	vld.idx.msk [tilespmem:v3+s3+$0x0], $0xffff  }
.Ltmp14:
0x2e2: {  	v3 =	vld.idx.msk [tilespmem:v0+s3+$0x0], $0xffff;
	(pc) =	sbr.rel @p0 .LBB2_30-.Ltmp14, $4  }
0x2e3: {  	v0 =	vld.idx.msk [tilespmem:v1+s3+$0x0], $0xffff  }
0x2e4: {  	s13 =	sadd.s32 $0x80, s13;
	v1 =	vld.idx.msk [tilespmem:v2+s3+$0x0], $0xffff  }
0x2e5: {  	v2 =	vld.idx.msk [tilespmem:v4+s3+$0x0], $0xffff;
	[tilespmem:s13+$0x30] =	vst v6  }
0x2e6: {  	s15 =	sadd.s32 $0x80, s15;
	v4 =	vld.idx.msk [tilespmem:v7+s3+$0x0], $0xffff;
	[tilespmem:s13+$0xFFFFFFD0] =	vst v8  }
0x2e7: {  	[tilespmem:s13+$0xFFFFFFE0] =	vst v5  }
0x2e8: {  	[tilespmem:s13+$0xFFFFFFF0] =	vst v3  }
0x2e9: {  	[tilespmem:s13+$0x0] =	vst v0  }
0x2ea: {  	[tilespmem:s13+$0x10] =	vst v1  }
0x2eb: {  	[tilespmem:s13+$0x20] =	vst v2  }
0x2ec: {  	[tilespmem:s13+$0xFFFFFFC0] =	vst v4  }
0x2ed: {  	[hbm4b:s23+s2] =	stream.strided.scatter [tilespmem:s9], [sflag:$0x3], $0x1000, s4, s2, $0x38;
	[tilespmem:$0x1C700] =	vst v63  }
0x2ee: {  	_ =	swait.ge [sflag:s10], $0x1000  }
0x2ef: {  	[sflag:s10] =	ssyncset.done $0x0  }
0x2f0: {  	[sflag:s10] =	ssyncadd.s32 $0xFFFFF000  }
0x2f1: {  	_ =	swait.ge [sflag:s12], $0x1000  }
0x2f2: {  	[sflag:s12] =	ssyncset.done $0x0  }
0x2f3: {  	s15 =	simm.s32 $0x19740;
	[sflag:s12] =	ssyncadd.s32 $0xFFFFF000  }
0x2f4: {  	v0 =	vld [tilespmem:s15+$0x30]  }
0x2f5: {  	v1 =	vld [tilespmem:s15+$0xFFFFFFD0]  }
0x2f6: {  	v2 =	vld [tilespmem:s15+$0xFFFFFFE0]  }
0x2f7: {  	v3 =	vld [tilespmem:s15+$0xFFFFFFF0]  }
0x2f8: {  	v4 =	vld [tilespmem:s15+$0x0]  }
0x2f9: {  	v6 =	vld [tilespmem:s15+$0x10]  }
0x2fa: {  	v7 =	vld [tilespmem:s15+$0x20]  }
0x2fb: {  	v8 =	vld [tilespmem:s15+$0xFFFFFFC0]  }
0x2fc: {  	v9 =	vld.idx.msk [tilespmem:v0+s3+$0x0], $0xffff  }
0x2fd: {  	v10 =	vld.idx.msk [tilespmem:v1+s3+$0x0], $0xffff  }
0x2fe: {  	v5 =	vld.idx.msk [tilespmem:v2+s3+$0x0], $0xffff  }
0x2ff: {  	v3 =	vld.idx.msk [tilespmem:v3+s3+$0x0], $0xffff  }
0x300: {  	v0 =	vld.idx.msk [tilespmem:v4+s3+$0x0], $0xffff  }
0x301: {  	s13 =	simm.s32 $0x1B740;
	v1 =	vld.idx.msk [tilespmem:v6+s3+$0x0], $0xffff  }
0x302: {  	v2 =	vld.idx.msk [tilespmem:v7+s3+$0x0], $0xffff;
	[tilespmem:s13+$0x30] =	vst v9  }
0x303: {  	s14 =	simm.s32 $0x0;
	s15 =	simm.s32 $0x197C0;
	v4 =	vld.idx.msk [tilespmem:v8+s3+$0x0], $0xffff;
	[tilespmem:s13+$0xFFFFFFD0] =	vst v10  }
.LBB2_32:
0x304: {  	v6 =	vld [tilespmem:s15+$0x30];
	s14 =	sadd.s32 $0x8, s14;
	[tilespmem:s13+$0xFFFFFFE0] =	vst v5  }
0x305: {  	v5 =	vld [tilespmem:s15+$0xFFFFFFD0];
	p0 =	slt.u32 s14, $0xF8;
	[tilespmem:s13+$0xFFFFFFF0] =	vst v3  }
0x306: {  	v3 =	vld [tilespmem:s15+$0xFFFFFFE0];
	[tilespmem:s13+$0x0] =	vst v0  }
0x307: {  	v0 =	vld [tilespmem:s15+$0xFFFFFFF0];
	[tilespmem:s13+$0x10] =	vst v1  }
0x308: {  	v1 =	vld [tilespmem:s15+$0x0];
	[tilespmem:s13+$0x20] =	vst v2  }
0x309: {  	v2 =	vld [tilespmem:s15+$0x10];
	[tilespmem:s13+$0xFFFFFFC0] =	vst v4  }
0x30a: {  	v4 =	vld [tilespmem:s15+$0x20]  }
0x30b: {  	v7 =	vld [tilespmem:s15+$0xFFFFFFC0]  }
0x30c: {  	v6 =	vld.idx.msk [tilespmem:v6+s3+$0x0], $0xffff  }
0x30d: {  	v8 =	vld.idx.msk [tilespmem:v5+s3+$0x0], $0xffff  }
0x30e: {  	v5 =	vld.idx.msk [tilespmem:v3+s3+$0x0], $0xffff  }
.Ltmp15:
0x30f: {  	v3 =	vld.idx.msk [tilespmem:v0+s3+$0x0], $0xffff;
	(pc) =	sbr.rel @p0 .LBB2_32-.Ltmp15, $4  }
0x310: {  	v0 =	vld.idx.msk [tilespmem:v1+s3+$0x0], $0xffff  }
0x311: {  	s13 =	sadd.s32 $0x80, s13;
	v1 =	vld.idx.msk [tilespmem:v2+s3+$0x0], $0xffff  }
0x312: {  	v2 =	vld.idx.msk [tilespmem:v4+s3+$0x0], $0xffff;
	[tilespmem:s13+$0x30] =	vst v6  }
0x313: {  	s15 =	sadd.s32 $0x80, s15;
	v4 =	vld.idx.msk [tilespmem:v7+s3+$0x0], $0xffff;
	[tilespmem:s13+$0xFFFFFFD0] =	vst v8  }
0x314: {  	[tilespmem:s13+$0xFFFFFFE0] =	vst v5  }
0x315: {  	[tilespmem:s13+$0xFFFFFFF0] =	vst v3  }
0x316: {  	[tilespmem:s13+$0x0] =	vst v0  }
0x317: {  	[tilespmem:s13+$0x10] =	vst v1  }
0x318: {  	[tilespmem:s13+$0x20] =	vst v2  }
0x319: {  	s1 =	sadd.s32 $0x1, s1;
	[tilespmem:s13+$0xFFFFFFC0] =	vst v4  }
0x31a: {  	[hbm4b:s24+s2] =	stream.strided.scatter [tilespmem:s11], [sflag:$0x4], $0x1000, s4, s2, $0x38;
	[tilespmem:$0x1C700] =	vst v63  }
0x31b: {  	p0 =	sne.s32 s1, s25;
	_ =	swait.ge [sflag:s0], $0x1000  }
.Ltmp16:
0x31c: {  	[sflag:s0] =	ssyncset.done $0x0;
	(pc) =	sbr.rel @p0 .LBB2_1-.Ltmp16, $4  }
0x31d: {  	[sflag:s0] =	ssyncadd.s32 $0xFFFFF000  }
0x31e: {  	_ =	swait.ge [sflag:s12], $0x1000  }
0x31f: {  	[sflag:s12] =	ssyncset.done $0x0  }
0x320: {  	[sflag:s12] =	ssyncadd.s32 $0xFFFFF000  }
0x321: {  	_ =	sfence.sel $0x180000  }
0x322: {  	[bflag:$0x0] =	sbarrier.arrive $0xFFFF  }
0x323: {  	_ =	strace $0x90000047  }
0x324: {  	s0 =	stileid.u32;
	[bflag:$0x2] =	sbarrier.arrive $0xFFFF  }
0x325: {  	p0 =	sne.s32 s0, $0x0;
	s0 =	rddreg [dreg:$0x5]  }
0x326: {  	s0 =	sadd.s32 @!p0 $0x100000, s0  }
0x327: {  	[sflag:s0] =	ssyncadd.tile.s32 @!p0 $0x1;
	_ =	shalt  }
.Lfunc_end2:
_tile_overlayer_lowered:
.L_overlay_start_2:
0x328: {  	(tag) =	ssettag $0x2  }
0x329: {  	s0 =	rddreg [dreg:$0x0];
	s2 =	stileid.u32  }
0x32a: {  	s1 =	rddreg [dreg:$0x1];
	p0 =	sne.s32 s2, $0x0  }
0x32b: {  	s3 =	rddreg [dreg:$0x2];
	[bflag:$0x3] =	sbarrier.arrive $0xFFFF;
	s2 =	simm.s32 @!p0 $0x1C05  }
0x32c: {  	[timem:s3], [sflag:s2] =	dma.local @!p0 [hbm:s0], s1  }
0x32d: {  	s0 =	simm.s32 @!p0 $0x5  }
0x32e: {  	_ =	swait.ge @!p0 [sflag:s0], s1  }
0x32f: {  	s1 =	ssub.s32 @!p0 $0x0, s1;
	[sflag:s0] =	ssyncset.done @!p0 $0x0  }
0x330: {  	[sflag:s0] =	ssyncadd.s32 @!p0 s1  }
0x331: {  	[bflag:$0x3] =	sbarrier.arrive $0xFFFF  }
0x332: {  	_ =	shalt  }

</sc_bundles>
